<compile_context>
chip_gen: v7x
topology: tpu7x:2x2x1
jax: 0.10.2.dev20260603
libtpu: 0.0.44.dev20260713+nightly
codegen_flags: <defaults>
</compile_context>

<pallas_src>
import jax
import jax.numpy as jnp
from jax import lax
from jax.experimental import pallas as pl
from jax.experimental.pallas import tpu as pltpu
from jax.experimental.pallas import tpu_sc as plsc

N_NODES = 10000
D_FEAT = 128
N_EDGES = 320000

_NC = 2
_NS = 16

_CHUNK = 16
_E_PAD = 327680
_SPAN_ROWS = 160
_NPH = 20
_PH_ROWS = _SPAN_ROWS // _NPH
_PH_CHUNKS = _PH_ROWS * 8

_HALF = 5056
_ACC_ROWS = 5064
_SINK = 5063

_XS_BIG = 632
_XS_LAST = 520
_AC_BIG = 320
_AC_LAST = 264
_WB_LAST = 256
_WB_HI = 144


def _mp_body(x_hbm, ej_hbm, ei_hbm, zero_hbm, out_hbm,
             ejin, eiin, rows_v, stg, x_sh, acc,
             gsem0, gsem1, ssem0, ssem1, ssem2, ssem3):
    c = lax.axis_index("c")
    s = lax.axis_index("s")

    @pl.when(s < _NS - 1)
    def _stage_main():
        pltpu.sync_copy(x_hbm.at[pl.ds(s * _XS_BIG, _XS_BIG)],
                        x_sh.at[pl.ds(s * _XS_BIG, _XS_BIG)])
        pltpu.sync_copy(zero_hbm.at[pl.ds(s * _AC_BIG, _AC_BIG)],
                        acc.at[pl.ds(s * _AC_BIG, _AC_BIG)])

    @pl.when(s == _NS - 1)
    def _stage_last():
        pltpu.sync_copy(x_hbm.at[pl.ds(15 * _XS_BIG, _XS_LAST)],
                        x_sh.at[pl.ds(15 * _XS_BIG, _XS_LAST)])
        pltpu.sync_copy(zero_hbm.at[pl.ds(15 * _AC_BIG, _AC_LAST)],
                        acc.at[pl.ds(15 * _AC_BIG, _AC_LAST)])

    plsc.subcore_barrier()

    dst_lo = c * _HALF
    span0 = s * _SPAN_ROWS

    def build_stage(k, j):
        row = k // 8
        col = (k % 8) * 16
        eig = eiin[row, pl.ds(col, 16)]
        loc = eig - dst_lo
        m = (loc >= 0) & (loc < _HALF)
        stg[pl.ds(16 * j, 16)] = jnp.where(m, loc, _SINK)

    def gather_desc(k, b, gsem):
        row = k // 8
        col = (k % 8) * 16
        return pltpu.make_async_copy(
            x_sh.at[ejin.at[row, pl.ds(col, 16)]], rows_v.at[b], gsem)

    def phase_body(ph, carry):
        pltpu.sync_copy(ej_hbm.at[pl.ds(span0 + ph * _PH_ROWS, _PH_ROWS)],
                        ejin)
        pltpu.sync_copy(ei_hbm.at[pl.ds(span0 + ph * _PH_ROWS, _PH_ROWS)],
                        eiin)
        gather_desc(0, 0, gsem0).start()
        gather_desc(1, 1, gsem1).start()

        def quad(i, ic):
            for j, (gsem, ssm, ssn) in enumerate((
                    (gsem0, ssem0, ssem2),
                    (gsem1, ssem1, ssem3),
                    (gsem0, ssem2, ssem0),
                    (gsem1, ssem3, ssem1))):
                k = 4 * i + j
                b = j
                bn = (j + 2) % 4
                gather_desc(k, b, gsem).wait()
                build_stage(k, j)
                pltpu.async_copy(rows_v.at[b],
                                 acc.at[stg.at[pl.ds(16 * j, 16)]],
                                 ssm, add=True)

                @pl.when(k >= 2)
                def _drain_old():
                    pltpu.make_async_copy(
                        rows_v.at[bn],
                        acc.at[stg.at[pl.ds(16 * bn, 16)]], ssn).wait()

                @pl.when(k + 2 < _PH_CHUNKS)
                def _prefetch():
                    gather_desc(k + 2, bn, gsem).start()

            return ic

        lax.fori_loop(0, _PH_CHUNKS // 4, quad, 0)
        pltpu.make_async_copy(rows_v.at[2],
                              acc.at[stg.at[pl.ds(32, 16)]], ssem2).wait()
        pltpu.make_async_copy(rows_v.at[3],
                              acc.at[stg.at[pl.ds(48, 16)]], ssem3).wait()
        return carry

    lax.fori_loop(0, _NPH, phase_body, 0)
    plsc.subcore_barrier()

    @pl.when(s < _NS - 1)
    def _wb_main():
        pltpu.sync_copy(acc.at[pl.ds(s * _AC_BIG, _AC_BIG)],
                        out_hbm.at[pl.ds(c * _HALF + s * _AC_BIG, _AC_BIG)])

    @pl.when((s == _NS - 1) & (c == 0))
    def _wb_last_lo():
        pltpu.sync_copy(acc.at[pl.ds(15 * _AC_BIG, _WB_LAST)],
                        out_hbm.at[pl.ds(15 * _AC_BIG, _WB_LAST)])

    @pl.when((s == _NS - 1) & (c == 1))
    def _wb_last_hi():
        pltpu.sync_copy(acc.at[pl.ds(15 * _AC_BIG, _WB_HI)],
                        out_hbm.at[pl.ds(_HALF + 15 * _AC_BIG, _WB_HI)])


def kernel(x, edge_index):
    ej = edge_index[0].astype(jnp.int32)
    ei = edge_index[1].astype(jnp.int32)
    pad = _E_PAD - N_EDGES
    ej = jnp.concatenate([ej, jnp.zeros((pad,), jnp.int32)])
    ei = jnp.concatenate([ei, jnp.full((pad,), N_NODES, jnp.int32)])
    ej2 = ej.reshape(_E_PAD // 128, 128)
    ei2 = ei.reshape(_E_PAD // 128, 128)
    zeros = jnp.zeros((_ACC_ROWS, D_FEAT), jnp.float32)

    mesh = plsc.VectorSubcoreMesh(core_axis_name="c", subcore_axis_name="s")
    partials = pl.kernel(
        _mp_body,
        mesh=mesh,
        out_type=jax.ShapeDtypeStruct((N_NODES, D_FEAT), jnp.float32),
        scratch_types=[
            pltpu.VMEM((_PH_ROWS, 128), jnp.int32),
            pltpu.VMEM((_PH_ROWS, 128), jnp.int32),
            pltpu.VMEM((4, _CHUNK, D_FEAT), jnp.float32),
            pltpu.VMEM((4 * _CHUNK,), jnp.int32),
            pltpu.VMEM_SHARED((N_NODES, D_FEAT), jnp.float32),
            pltpu.VMEM_SHARED((_ACC_ROWS, D_FEAT), jnp.float32),
            pltpu.SemaphoreType.DMA,
            pltpu.SemaphoreType.DMA,
            pltpu.SemaphoreType.DMA,
            pltpu.SemaphoreType.DMA,
            pltpu.SemaphoreType.DMA,
            pltpu.SemaphoreType.DMA,
        ],
    )(x, ej2, ei2, zeros)

    return partials

# --- scband reference (transcript-rebuilt; emitter-appended) ---
"""Pipeline reference for scband-message-passing-53094385713415 (READ-ONLY COPY).

The authoritative reference and input builder live on the scoring server;
editing this copy changes nothing except your own understanding.
"""

import jax, jax.numpy as jnp
import numpy as np

N_NODES = 10000
N_EDGES = 320000
D_FEAT = 128

def setup_inputs(seed: int = 0) -> dict:
    key = jax.random.key(seed)
    k1, k2 = jax.random.split(key)
    x = jax.random.normal(k1, (N_NODES, D_FEAT), dtype=jnp.float32)
    # edge_index row 0 = source node j (a.indices[:, 0]), row 1 = target node i (a.indices[:, 1])
    edge_index = jax.random.randint(k2, (2, N_EDGES), 0, N_NODES).astype(jnp.int64)
    return {"x": x, "edge_index": edge_index}

def reference(x, edge_index):
    # Base MessagePassing with default message/aggregate/update and aggregate='sum':
    #   message(x)    = gather x at source indices j  (self.get_j(x))
    #   aggregate(m)  = scatter-sum into target indices i over n_nodes rows
    #   update(emb)   = identity
    index_j = edge_index[0]
    index_i = edge_index[1]
    messages = jnp.take(x, index_j, axis=0)
    embeddings = jax.ops.segment_sum(messages, index_i, num_segments=x.shape[0])
    return embeddings

if __name__ == "__main__":
    import jax
    _d = setup_inputs()
    print(jax.jit(kernel)(*tuple(_d.values())))

</pallas_src>

<mosaic_0001>
#map = affine_map<(d0, d1) -> (0, 0)>
module attributes {stable_mosaic.version = 14 : i64} {
  func.func @_mp_body(%arg0: i32, %arg1: i32, %arg2: memref<10000x128xf32, #tpu.memory_space<hbm>>, %arg3: memref<2560x128xi32, #tpu.memory_space<hbm>>, %arg4: memref<2560x128xi32, #tpu.memory_space<hbm>>, %arg5: memref<5064x128xf32, #tpu.memory_space<hbm>>, %arg6: memref<10000x128xf32, #tpu.memory_space<hbm>>, %arg7: memref<8x128xi32, #tpu.memory_space<vmem>>, %arg8: memref<8x128xi32, #tpu.memory_space<vmem>>, %arg9: memref<4x16x128xf32, #tpu.memory_space<vmem>>, %arg10: memref<64xi32, #tpu.memory_space<vmem>>, %arg11: memref<10000x128xf32, #tpu.memory_space<vmem_shared>>, %arg12: memref<5064x128xf32, #tpu.memory_space<vmem_shared>>, %arg13: memref<!tpu.dma_semaphore, #tpu.memory_space<semaphore_mem>>, %arg14: memref<!tpu.dma_semaphore, #tpu.memory_space<semaphore_mem>>, %arg15: memref<!tpu.dma_semaphore, #tpu.memory_space<semaphore_mem>>, %arg16: memref<!tpu.dma_semaphore, #tpu.memory_space<semaphore_mem>>, %arg17: memref<!tpu.dma_semaphore, #tpu.memory_space<semaphore_mem>>, %arg18: memref<!tpu.dma_semaphore, #tpu.memory_space<semaphore_mem>>) attributes {dimension_semantics = [#tpu.dimension_semantics<core_parallel>, #tpu.dimension_semantics<subcore_parallel>], iteration_bounds = array<i64: 2, 16>, scalar_prefetch = 0 : i64, scratch_operands = 12 : i64, tpu.core_type = #tpu.core_type<sc_vector_subcore>, window_params = [{transform_indices = #map}, {transform_indices = #map}, {transform_indices = #map}, {transform_indices = #map}, {transform_indices = #map}]} {
    %lt3A = arith.constant 15 : i32
    %lt3A_0 = arith.cmpi slt, %arg1, %lt3A : i32
    %convert_element_type3A = arith.extui %lt3A_0 : i1 to i32
    %cond3A = arith.constant 0 : i32
    %cond3A_1 = arith.cmpi ne, %convert_element_type3A, %cond3A : i32
    scf.if %cond3A_1 {
      %mul3A_35 = arith.constant 632 : i32
      %mul3A_36 = arith.muli %arg1, %mul3A_35 : i32
      %mul3A_37 = arith.constant 632 : i32
      %mul3A_38 = arith.muli %arg1, %mul3A_37 : i32
      "tpu.region"() ({
        %run_scoped3A = tpu.sem_alloc : memref<!tpu.dma_semaphore, #tpu.memory_space<semaphore_mem>>
        %dma_start3A = arith.constant 0 : i32
        %dma_start3A_43 = tpu.memref_slice %arg11[%mul3A_38, %dma_start3A] : memref<10000x128xf32, #tpu.memory_space<vmem_shared>> -> memref<632x128xf32, #tpu.memory_space<vmem_shared>>
        %dma_start3A_44 = arith.constant 0 : i32
        %dma_start3A_45 = tpu.memref_slice %arg2[%mul3A_36, %dma_start3A_44] : memref<10000x128xf32, #tpu.memory_space<hbm>> -> memref<632x128xf32, #tpu.memory_space<hbm>>
        tpu.enqueue_dma source(%dma_start3A_45 : memref<632x128xf32, #tpu.memory_space<hbm>>) target(%dma_start3A_43 : memref<632x128xf32, #tpu.memory_space<vmem_shared>>) target_semaphore(%run_scoped3A : memref<!tpu.dma_semaphore, #tpu.memory_space<semaphore_mem>>)
        %dma_wait3A = arith.constant 0 : i32
        %dma_wait3A_46 = tpu.memref_slice %arg11[%mul3A_38, %dma_wait3A] : memref<10000x128xf32, #tpu.memory_space<vmem_shared>> -> memref<632x128xf32, #tpu.memory_space<vmem_shared>>
        %dma_wait3A_47 = arith.constant 0 : i32
        %dma_wait3A_48 = tpu.memref_slice %arg2[%mul3A_36, %dma_wait3A_47] : memref<10000x128xf32, #tpu.memory_space<hbm>> -> memref<632x128xf32, #tpu.memory_space<hbm>>
        tpu.wait_dma2 semaphore(%run_scoped3A : memref<!tpu.dma_semaphore, #tpu.memory_space<semaphore_mem>>) src(%dma_wait3A_48 : memref<632x128xf32, #tpu.memory_space<hbm>>) dst(%dma_wait3A_46 : memref<632x128xf32, #tpu.memory_space<vmem_shared>>)
        tpu.yield
      }) : () -> ()
      %mul3A_39 = arith.constant 320 : i32
      %mul3A_40 = arith.muli %arg1, %mul3A_39 : i32
      %mul3A_41 = arith.constant 320 : i32
      %mul3A_42 = arith.muli %arg1, %mul3A_41 : i32
      "tpu.region"() ({
        %run_scoped3A = tpu.sem_alloc : memref<!tpu.dma_semaphore, #tpu.memory_space<semaphore_mem>>
        %dma_start3A = arith.constant 0 : i32
        %dma_start3A_43 = tpu.memref_slice %arg12[%mul3A_42, %dma_start3A] : memref<5064x128xf32, #tpu.memory_space<vmem_shared>> -> memref<320x128xf32, #tpu.memory_space<vmem_shared>>
        %dma_start3A_44 = arith.constant 0 : i32
        %dma_start3A_45 = tpu.memref_slice %arg5[%mul3A_40, %dma_start3A_44] : memref<5064x128xf32, #tpu.memory_space<hbm>> -> memref<320x128xf32, #tpu.memory_space<hbm>>
        tpu.enqueue_dma source(%dma_start3A_45 : memref<320x128xf32, #tpu.memory_space<hbm>>) target(%dma_start3A_43 : memref<320x128xf32, #tpu.memory_space<vmem_shared>>) target_semaphore(%run_scoped3A : memref<!tpu.dma_semaphore, #tpu.memory_space<semaphore_mem>>)
        %dma_wait3A = arith.constant 0 : i32
        %dma_wait3A_46 = tpu.memref_slice %arg12[%mul3A_42, %dma_wait3A] : memref<5064x128xf32, #tpu.memory_space<vmem_shared>> -> memref<320x128xf32, #tpu.memory_space<vmem_shared>>
        %dma_wait3A_47 = arith.constant 0 : i32
        %dma_wait3A_48 = tpu.memref_slice %arg5[%mul3A_40, %dma_wait3A_47] : memref<5064x128xf32, #tpu.memory_space<hbm>> -> memref<320x128xf32, #tpu.memory_space<hbm>>
        tpu.wait_dma2 semaphore(%run_scoped3A : memref<!tpu.dma_semaphore, #tpu.memory_space<semaphore_mem>>) src(%dma_wait3A_48 : memref<320x128xf32, #tpu.memory_space<hbm>>) dst(%dma_wait3A_46 : memref<320x128xf32, #tpu.memory_space<vmem_shared>>)
        tpu.yield
      }) : () -> ()
    } else {
    }
    %eq3A = arith.constant 15 : i32
    %eq3A_2 = arith.cmpi eq, %arg1, %eq3A : i32
    %convert_element_type3A_3 = arith.extui %eq3A_2 : i1 to i32
    %cond3A_4 = arith.constant 0 : i32
    %cond3A_5 = arith.cmpi ne, %convert_element_type3A_3, %cond3A_4 : i32
    scf.if %cond3A_5 {
      "tpu.region"() ({
        %run_scoped3A = tpu.sem_alloc : memref<!tpu.dma_semaphore, #tpu.memory_space<semaphore_mem>>
        %dma_start3A = arith.constant 9480 : i32
        %dma_start3A_35 = arith.constant 0 : i32
        %dma_start3A_36 = tpu.memref_slice %arg11[%dma_start3A, %dma_start3A_35] : memref<10000x128xf32, #tpu.memory_space<vmem_shared>> -> memref<520x128xf32, #tpu.memory_space<vmem_shared>>
        %dma_start3A_37 = arith.constant 9480 : i32
        %dma_start3A_38 = arith.constant 0 : i32
        %dma_start3A_39 = tpu.memref_slice %arg2[%dma_start3A_37, %dma_start3A_38] : memref<10000x128xf32, #tpu.memory_space<hbm>> -> memref<520x128xf32, #tpu.memory_space<hbm>>
        tpu.enqueue_dma source(%dma_start3A_39 : memref<520x128xf32, #tpu.memory_space<hbm>>) target(%dma_start3A_36 : memref<520x128xf32, #tpu.memory_space<vmem_shared>>) target_semaphore(%run_scoped3A : memref<!tpu.dma_semaphore, #tpu.memory_space<semaphore_mem>>)
        %dma_wait3A = arith.constant 9480 : i32
        %dma_wait3A_40 = arith.constant 0 : i32
        %dma_wait3A_41 = tpu.memref_slice %arg11[%dma_wait3A, %dma_wait3A_40] : memref<10000x128xf32, #tpu.memory_space<vmem_shared>> -> memref<520x128xf32, #tpu.memory_space<vmem_shared>>
        %dma_wait3A_42 = arith.constant 9480 : i32
        %dma_wait3A_43 = arith.constant 0 : i32
        %dma_wait3A_44 = tpu.memref_slice %arg2[%dma_wait3A_42, %dma_wait3A_43] : memref<10000x128xf32, #tpu.memory_space<hbm>> -> memref<520x128xf32, #tpu.memory_space<hbm>>
        tpu.wait_dma2 semaphore(%run_scoped3A : memref<!tpu.dma_semaphore, #tpu.memory_space<semaphore_mem>>) src(%dma_wait3A_44 : memref<520x128xf32, #tpu.memory_space<hbm>>) dst(%dma_wait3A_41 : memref<520x128xf32, #tpu.memory_space<vmem_shared>>)
        tpu.yield
      }) : () -> ()
      "tpu.region"() ({
        %run_scoped3A = tpu.sem_alloc : memref<!tpu.dma_semaphore, #tpu.memory_space<semaphore_mem>>
        %dma_start3A = arith.constant 4800 : i32
        %dma_start3A_35 = arith.constant 0 : i32
        %dma_start3A_36 = tpu.memref_slice %arg12[%dma_start3A, %dma_start3A_35] : memref<5064x128xf32, #tpu.memory_space<vmem_shared>> -> memref<264x128xf32, #tpu.memory_space<vmem_shared>>
        %dma_start3A_37 = arith.constant 4800 : i32
        %dma_start3A_38 = arith.constant 0 : i32
        %dma_start3A_39 = tpu.memref_slice %arg5[%dma_start3A_37, %dma_start3A_38] : memref<5064x128xf32, #tpu.memory_space<hbm>> -> memref<264x128xf32, #tpu.memory_space<hbm>>
        tpu.enqueue_dma source(%dma_start3A_39 : memref<264x128xf32, #tpu.memory_space<hbm>>) target(%dma_start3A_36 : memref<264x128xf32, #tpu.memory_space<vmem_shared>>) target_semaphore(%run_scoped3A : memref<!tpu.dma_semaphore, #tpu.memory_space<semaphore_mem>>)
        %dma_wait3A = arith.constant 4800 : i32
        %dma_wait3A_40 = arith.constant 0 : i32
        %dma_wait3A_41 = tpu.memref_slice %arg12[%dma_wait3A, %dma_wait3A_40] : memref<5064x128xf32, #tpu.memory_space<vmem_shared>> -> memref<264x128xf32, #tpu.memory_space<vmem_shared>>
        %dma_wait3A_42 = arith.constant 4800 : i32
        %dma_wait3A_43 = arith.constant 0 : i32
        %dma_wait3A_44 = tpu.memref_slice %arg5[%dma_wait3A_42, %dma_wait3A_43] : memref<5064x128xf32, #tpu.memory_space<hbm>> -> memref<264x128xf32, #tpu.memory_space<hbm>>
        tpu.wait_dma2 semaphore(%run_scoped3A : memref<!tpu.dma_semaphore, #tpu.memory_space<semaphore_mem>>) src(%dma_wait3A_44 : memref<264x128xf32, #tpu.memory_space<hbm>>) dst(%dma_wait3A_41 : memref<264x128xf32, #tpu.memory_space<vmem_shared>>)
        tpu.yield
      }) : () -> ()
    } else {
    }
    %barrier3A = arith.constant 0 : index
    tpu.barrier barrier_id(%barrier3A)
    %mul3A = arith.constant 5056 : i32
    %mul3A_6 = arith.muli %arg0, %mul3A : i32
    %mul3A_7 = arith.constant 160 : i32
    %mul3A_8 = arith.muli %arg1, %mul3A_7 : i32
    %scan3A = arith.constant 0 : i32
    %scan3A_9 = arith.constant 0 : i32
    %scan3A_10 = arith.constant 20 : i32
    %scan3A_11 = arith.addi %scan3A_9, %scan3A_10 : i32
    %scan3A_12 = arith.constant 1 : i32
    scf.for %scan3A_35 = %scan3A_9 to %scan3A_11 step %scan3A_12  : i32 {
      %mul3A_36 = arith.constant 8 : i32
      %mul3A_37 = arith.muli %scan3A_35, %mul3A_36 : i32
      %add3A = arith.addi %mul3A_8, %mul3A_37 : i32
      "tpu.region"() ({
        %run_scoped3A = tpu.sem_alloc : memref<!tpu.dma_semaphore, #tpu.memory_space<semaphore_mem>>
        %dma_start3A_89 = arith.constant 0 : i32
        %dma_start3A_90 = tpu.memref_slice %arg3[%add3A, %dma_start3A_89] : memref<2560x128xi32, #tpu.memory_space<hbm>> -> memref<8x128xi32, #tpu.memory_space<hbm>>
        %dma_start3A_91 = arith.constant 0 : i32
        %dma_start3A_92 = tpu.memref_slice %arg3[%add3A, %dma_start3A_91] : memref<2560x128xi32, #tpu.memory_space<hbm>> -> memref<8x128xi32, #tpu.memory_space<hbm>>
        tpu.enqueue_dma source(%dma_start3A_92 : memref<8x128xi32, #tpu.memory_space<hbm>>) target(%arg7 : memref<8x128xi32, #tpu.memory_space<vmem>>) target_semaphore(%run_scoped3A : memref<!tpu.dma_semaphore, #tpu.memory_space<semaphore_mem>>)
        %dma_wait3A_93 = arith.constant 0 : i32
        %dma_wait3A_94 = tpu.memref_slice %arg3[%add3A, %dma_wait3A_93] : memref<2560x128xi32, #tpu.memory_space<hbm>> -> memref<8x128xi32, #tpu.memory_space<hbm>>
        %dma_wait3A_95 = arith.constant 0 : i32
        %dma_wait3A_96 = tpu.memref_slice %arg3[%add3A, %dma_wait3A_95] : memref<2560x128xi32, #tpu.memory_space<hbm>> -> memref<8x128xi32, #tpu.memory_space<hbm>>
        tpu.wait_dma2 semaphore(%run_scoped3A : memref<!tpu.dma_semaphore, #tpu.memory_space<semaphore_mem>>) src(%dma_wait3A_96 : memref<8x128xi32, #tpu.memory_space<hbm>>) dst(%arg7 : memref<8x128xi32, #tpu.memory_space<vmem>>)
        tpu.yield
      }) : () -> ()
      %mul3A_38 = arith.constant 8 : i32
      %mul3A_39 = arith.muli %scan3A_35, %mul3A_38 : i32
      %add3A_40 = arith.addi %mul3A_8, %mul3A_39 : i32
      "tpu.region"() ({
        %run_scoped3A = tpu.sem_alloc : memref<!tpu.dma_semaphore, #tpu.memory_space<semaphore_mem>>
        %dma_start3A_89 = arith.constant 0 : i32
        %dma_start3A_90 = tpu.memref_slice %arg4[%add3A_40, %dma_start3A_89] : memref<2560x128xi32, #tpu.memory_space<hbm>> -> memref<8x128xi32, #tpu.memory_space<hbm>>
        %dma_start3A_91 = arith.constant 0 : i32
        %dma_start3A_92 = tpu.memref_slice %arg4[%add3A_40, %dma_start3A_91] : memref<2560x128xi32, #tpu.memory_space<hbm>> -> memref<8x128xi32, #tpu.memory_space<hbm>>
        tpu.enqueue_dma source(%dma_start3A_92 : memref<8x128xi32, #tpu.memory_space<hbm>>) target(%arg8 : memref<8x128xi32, #tpu.memory_space<vmem>>) target_semaphore(%run_scoped3A : memref<!tpu.dma_semaphore, #tpu.memory_space<semaphore_mem>>)
        %dma_wait3A_93 = arith.constant 0 : i32
        %dma_wait3A_94 = tpu.memref_slice %arg4[%add3A_40, %dma_wait3A_93] : memref<2560x128xi32, #tpu.memory_space<hbm>> -> memref<8x128xi32, #tpu.memory_space<hbm>>
        %dma_wait3A_95 = arith.constant 0 : i32
        %dma_wait3A_96 = tpu.memref_slice %arg4[%add3A_40, %dma_wait3A_95] : memref<2560x128xi32, #tpu.memory_space<hbm>> -> memref<8x128xi32, #tpu.memory_space<hbm>>
        tpu.wait_dma2 semaphore(%run_scoped3A : memref<!tpu.dma_semaphore, #tpu.memory_space<semaphore_mem>>) src(%dma_wait3A_96 : memref<8x128xi32, #tpu.memory_space<hbm>>) dst(%arg8 : memref<8x128xi32, #tpu.memory_space<vmem>>)
        tpu.yield
      }) : () -> ()
      %dma_start3A = arith.constant 0 : i32
      %dma_start3A_41 = arith.constant 0 : i32
      %dma_start3A_42 = arith.constant 0 : i32
      %dma_start3A_43 = arith.constant 0 : i32
      %dma_start3A_44 = tpu.memref_slice %arg9[%dma_start3A_41, %dma_start3A_42, %dma_start3A_43] : memref<4x16x128xf32, #tpu.memory_space<vmem>> -> memref<1x16x128xf32, #tpu.memory_space<vmem>>
      %dma_start3A_45 = tpu.memref_squeeze %dma_start3A_44 : memref<1x16x128xf32, #tpu.memory_space<vmem>> -> memref<16x128xf32, #tpu.memory_space<vmem>>
      %dma_start3A_46 = arith.constant 0 : i32
      %dma_start3A_47 = tpu.memref_slice %arg7[%dma_start3A, %dma_start3A_46] : memref<8x128xi32, #tpu.memory_space<vmem>> -> memref<1x16xi32, #tpu.memory_space<vmem>>
      %dma_start3A_48 = tpu.memref_squeeze %dma_start3A_47 : memref<1x16xi32, #tpu.memory_space<vmem>> -> memref<16xi32, #tpu.memory_space<vmem>>
      %dma_start3A_49 = arith.constant 0 : i32
      %dma_start3A_50 = arith.constant 0 : i32
      %dma_start3A_51 = tpu.memref_slice %arg11[%dma_start3A_49, %dma_start3A_50] : memref<10000x128xf32, #tpu.memory_space<vmem_shared>> -> memref<10000x128xf32, #tpu.memory_space<vmem_shared>>
      tpu.enqueue_indirect_dma source(%dma_start3A_51 : memref<10000x128xf32, #tpu.memory_space<vmem_shared>>) target(%dma_start3A_45 : memref<16x128xf32, #tpu.memory_space<vmem>>) offsets(%dma_start3A_48 : memref<16xi32, #tpu.memory_space<vmem>>) semaphore(%arg13 : memref<!tpu.dma_semaphore, #tpu.memory_space<semaphore_mem>>)
      %dma_start3A_52 = arith.constant 0 : i32
      %dma_start3A_53 = arith.constant 1 : i32
      %dma_start3A_54 = arith.constant 0 : i32
      %dma_start3A_55 = arith.constant 0 : i32
      %dma_start3A_56 = tpu.memref_slice %arg9[%dma_start3A_53, %dma_start3A_54, %dma_start3A_55] : memref<4x16x128xf32, #tpu.memory_space<vmem>> -> memref<1x16x128xf32, #tpu.memory_space<vmem>>
      %dma_start3A_57 = tpu.memref_squeeze %dma_start3A_56 : memref<1x16x128xf32, #tpu.memory_space<vmem>> -> memref<16x128xf32, #tpu.memory_space<vmem>>
      %dma_start3A_58 = arith.constant 16 : i32
      %dma_start3A_59 = tpu.memref_slice %arg7[%dma_start3A_52, %dma_start3A_58] : memref<8x128xi32, #tpu.memory_space<vmem>> -> memref<1x16xi32, #tpu.memory_space<vmem>>
      %dma_start3A_60 = tpu.memref_squeeze %dma_start3A_59 : memref<1x16xi32, #tpu.memory_space<vmem>> -> memref<16xi32, #tpu.memory_space<vmem>>
      %dma_start3A_61 = arith.constant 0 : i32
      %dma_start3A_62 = arith.constant 0 : i32
      %dma_start3A_63 = tpu.memref_slice %arg11[%dma_start3A_61, %dma_start3A_62] : memref<10000x128xf32, #tpu.memory_space<vmem_shared>> -> memref<10000x128xf32, #tpu.memory_space<vmem_shared>>
      tpu.enqueue_indirect_dma source(%dma_start3A_63 : memref<10000x128xf32, #tpu.memory_space<vmem_shared>>) target(%dma_start3A_57 : memref<16x128xf32, #tpu.memory_space<vmem>>) offsets(%dma_start3A_60 : memref<16xi32, #tpu.memory_space<vmem>>) semaphore(%arg14 : memref<!tpu.dma_semaphore, #tpu.memory_space<semaphore_mem>>)
      %scan3A_64 = arith.constant 0 : i32
      %scan3A_65 = arith.constant 0 : i32
      %scan3A_66 = arith.constant 16 : i32
      %scan3A_67 = arith.addi %scan3A_65, %scan3A_66 : i32
      %scan3A_68 = arith.constant 1 : i32
      scf.for %scan3A_89 = %scan3A_65 to %scan3A_67 step %scan3A_68  : i32 {
        %mul3A_90 = arith.constant 4 : i32
        %mul3A_91 = arith.muli %mul3A_90, %scan3A_89 : i32
        %add3A_92 = arith.constant 0 : i32
        %add3A_93 = arith.addi %mul3A_91, %add3A_92 : i32
        %jit3A = arith.constant 8 : i32
        %div3A = arith.divsi %add3A_93, %jit3A : i32
        %sign3A = arith.constant 0 : i32
        %sign3A_94 = arith.cmpi sgt, %add3A_93, %sign3A : i32
        %sign3A_95 = arith.extui %sign3A_94 : i1 to i32
        %sign3A_96 = arith.constant 0 : i32
        %sign3A_97 = arith.cmpi slt, %add3A_93, %sign3A_96 : i32
        %sign3A_98 = arith.extui %sign3A_97 : i1 to i32
        %sign3A_99 = arith.subi %sign3A_95, %sign3A_98 : i32
        %sign3A_100 = arith.constant 0 : i32
        %sign3A_101 = arith.cmpi sgt, %jit3A, %sign3A_100 : i32
        %sign3A_102 = arith.extui %sign3A_101 : i1 to i32
        %sign3A_103 = arith.constant 0 : i32
        %sign3A_104 = arith.cmpi slt, %jit3A, %sign3A_103 : i32
        %sign3A_105 = arith.extui %sign3A_104 : i1 to i32
        %sign3A_106 = arith.subi %sign3A_102, %sign3A_105 : i32
        %ne3A = arith.cmpi ne, %sign3A_99, %sign3A_106 : i32
        %rem3A = arith.remsi %add3A_93, %jit3A : i32
        %ne3A_107 = arith.constant 0 : i32
        %ne3A_108 = arith.cmpi ne, %rem3A, %ne3A_107 : i32
        %and3A_109 = arith.andi %ne3A, %ne3A_108 : i1
        %sub3A = arith.constant 1 : i32
        %sub3A_110 = arith.subi %div3A, %sub3A : i32
        %select_n3A = arith.select %and3A_109, %sub3A_110, %div3A : i32
        %jit3A_111 = arith.constant 8 : i32
        %eq3A_112 = arith.constant 0 : i32
        %eq3A_113 = arith.cmpi eq, %jit3A_111, %eq3A_112 : i32
        %jit3A_114 = arith.constant 1 : i32
        %select_n3A_115 = arith.select %eq3A_113, %jit3A_114, %jit3A_111 : i32
        %rem3A_116 = arith.remsi %add3A_93, %select_n3A_115 : i32
        %ne3A_117 = arith.constant 0 : i32
        %ne3A_118 = arith.cmpi ne, %rem3A_116, %ne3A_117 : i32
        %lt3A_119 = arith.constant 0 : i32
        %lt3A_120 = arith.cmpi slt, %rem3A_116, %lt3A_119 : i32
        %lt3A_121 = arith.constant 0 : i32
        %lt3A_122 = arith.cmpi slt, %select_n3A_115, %lt3A_121 : i32
        %ne3A_123 = arith.xori %lt3A_120, %lt3A_122 : i1
        %and3A_124 = arith.andi %ne3A_123, %ne3A_118 : i1
        %add3A_125 = arith.addi %rem3A_116, %select_n3A_115 : i32
        %select_n3A_126 = arith.select %and3A_124, %add3A_125, %rem3A_116 : i32
        %mul3A_127 = arith.constant 16 : i32
        %mul3A_128 = arith.muli %select_n3A_126, %mul3A_127 : i32
        %dma_wait3A_129 = arith.constant 0 : i32
        %dma_wait3A_130 = arith.constant 0 : i32
        %dma_wait3A_131 = arith.constant 0 : i32
        %dma_wait3A_132 = tpu.memref_slice %arg9[%dma_wait3A_129, %dma_wait3A_130, %dma_wait3A_131] : memref<4x16x128xf32, #tpu.memory_space<vmem>> -> memref<1x16x128xf32, #tpu.memory_space<vmem>>
        %dma_wait3A_133 = tpu.memref_squeeze %dma_wait3A_132 : memref<1x16x128xf32, #tpu.memory_space<vmem>> -> memref<16x128xf32, #tpu.memory_space<vmem>>
        %dma_wait3A_134 = tpu.memref_slice %arg7[%select_n3A, %mul3A_128] : memref<8x128xi32, #tpu.memory_space<vmem>> -> memref<1x16xi32, #tpu.memory_space<vmem>>
        %dma_wait3A_135 = tpu.memref_squeeze %dma_wait3A_134 : memref<1x16xi32, #tpu.memory_space<vmem>> -> memref<16xi32, #tpu.memory_space<vmem>>
        %dma_wait3A_136 = arith.constant 0 : i32
        %dma_wait3A_137 = arith.constant 0 : i32
        %dma_wait3A_138 = tpu.memref_slice %arg11[%dma_wait3A_136, %dma_wait3A_137] : memref<10000x128xf32, #tpu.memory_space<vmem_shared>> -> memref<10000x128xf32, #tpu.memory_space<vmem_shared>>
        tpu.wait_indirect_dma semaphore(%arg13 : memref<!tpu.dma_semaphore, #tpu.memory_space<semaphore_mem>>) src(%dma_wait3A_138 : memref<10000x128xf32, #tpu.memory_space<vmem_shared>>) dst(%dma_wait3A_133 : memref<16x128xf32, #tpu.memory_space<vmem>>)
        %jit3A_139 = arith.constant 8 : i32
        %div3A_140 = arith.divsi %add3A_93, %jit3A_139 : i32
        %sign3A_141 = arith.constant 0 : i32
        %sign3A_142 = arith.cmpi sgt, %add3A_93, %sign3A_141 : i32
        %sign3A_143 = arith.extui %sign3A_142 : i1 to i32
        %sign3A_144 = arith.constant 0 : i32
        %sign3A_145 = arith.cmpi slt, %add3A_93, %sign3A_144 : i32
        %sign3A_146 = arith.extui %sign3A_145 : i1 to i32
        %sign3A_147 = arith.subi %sign3A_143, %sign3A_146 : i32
        %sign3A_148 = arith.constant 0 : i32
        %sign3A_149 = arith.cmpi sgt, %jit3A_139, %sign3A_148 : i32
        %sign3A_150 = arith.extui %sign3A_149 : i1 to i32
        %sign3A_151 = arith.constant 0 : i32
        %sign3A_152 = arith.cmpi slt, %jit3A_139, %sign3A_151 : i32
        %sign3A_153 = arith.extui %sign3A_152 : i1 to i32
        %sign3A_154 = arith.subi %sign3A_150, %sign3A_153 : i32
        %ne3A_155 = arith.cmpi ne, %sign3A_147, %sign3A_154 : i32
        %rem3A_156 = arith.remsi %add3A_93, %jit3A_139 : i32
        %ne3A_157 = arith.constant 0 : i32
        %ne3A_158 = arith.cmpi ne, %rem3A_156, %ne3A_157 : i32
        %and3A_159 = arith.andi %ne3A_155, %ne3A_158 : i1
        %sub3A_160 = arith.constant 1 : i32
        %sub3A_161 = arith.subi %div3A_140, %sub3A_160 : i32
        %select_n3A_162 = arith.select %and3A_159, %sub3A_161, %div3A_140 : i32
        %jit3A_163 = arith.constant 8 : i32
        %eq3A_164 = arith.constant 0 : i32
        %eq3A_165 = arith.cmpi eq, %jit3A_163, %eq3A_164 : i32
        %jit3A_166 = arith.constant 1 : i32
        %select_n3A_167 = arith.select %eq3A_165, %jit3A_166, %jit3A_163 : i32
        %rem3A_168 = arith.remsi %add3A_93, %select_n3A_167 : i32
        %ne3A_169 = arith.constant 0 : i32
        %ne3A_170 = arith.cmpi ne, %rem3A_168, %ne3A_169 : i32
        %lt3A_171 = arith.constant 0 : i32
        %lt3A_172 = arith.cmpi slt, %rem3A_168, %lt3A_171 : i32
        %lt3A_173 = arith.constant 0 : i32
        %lt3A_174 = arith.cmpi slt, %select_n3A_167, %lt3A_173 : i32
        %ne3A_175 = arith.xori %lt3A_172, %lt3A_174 : i1
        %and3A_176 = arith.andi %ne3A_175, %ne3A_170 : i1
        %add3A_177 = arith.addi %rem3A_168, %select_n3A_167 : i32
        %select_n3A_178 = arith.select %and3A_176, %add3A_177, %rem3A_168 : i32
        %mul3A_179 = arith.constant 16 : i32
        %mul3A_180 = arith.muli %select_n3A_178, %mul3A_179 : i32
        %get3A = arith.index_cast %select_n3A_162 : i32 to index
        %get3A_181 = arith.index_cast %mul3A_180 : i32 to index
        %get3A_182 = tpu.vector_load %arg8[%get3A, %get3A_181] {strides = array<i32>} : memref<8x128xi32, #tpu.memory_space<vmem>>, vector<1x16xi32>,
        %get3A_183 = vector.shape_cast %get3A_182 : vector<1x16xi32> to vector<16xi32>
        %sub3A_184 = vector.broadcast %mul3A_6 : i32 to vector<16xi32>
        %sub3A_185 = arith.subi %get3A_183, %sub3A_184 : vector<16xi32>
        %ge3A = arith.constant 0 : i32
        %ge3A_186 = vector.broadcast %ge3A : i32 to vector<16xi32>
        %ge3A_187 = arith.cmpi sge, %sub3A_185, %ge3A_186 : vector<16xi32>
        %lt3A_188 = arith.constant 5056 : i32
        %lt3A_189 = vector.broadcast %lt3A_188 : i32 to vector<16xi32>
        %lt3A_190 = arith.cmpi slt, %sub3A_185, %lt3A_189 : vector<16xi32>
        %and3A_191 = arith.andi %ge3A_187, %lt3A_190 : vector<16xi1>
        %jit3A_192 = arith.constant 5063 : i32
        %broadcast_in_dim3A = vector.broadcast %jit3A_192 : i32 to vector<16xi32>
        %select_n3A_193 = arith.select %and3A_191, %sub3A_185, %broadcast_in_dim3A : vector<16xi1>, vector<16xi32>
        %swap3A = arith.constant 0 : index
        %swap3A_194 = tpu.vector_load %arg10[%swap3A] {strides = array<i32>} : memref<64xi32, #tpu.memory_space<vmem>>, vector<16xi32>,
        %swap3A_195 = vector.shape_cast %swap3A_194 : vector<16xi32> to vector<16xi32>
        %swap3A_196 = vector.shape_cast %select_n3A_193 : vector<16xi32> to vector<16xi32>
        tpu.vector_store %arg10[%swap3A], %swap3A_196 {strides = array<i32>} : memref<64xi32, #tpu.memory_space<vmem>>, vector<16xi32>,
        %dma_start3A_197 = arith.constant 0 : i32
        %dma_start3A_198 = arith.constant 0 : i32
        %dma_start3A_199 = arith.constant 0 : i32
        %dma_start3A_200 = tpu.memref_slice %arg9[%dma_start3A_197, %dma_start3A_198, %dma_start3A_199] : memref<4x16x128xf32, #tpu.memory_space<vmem>> -> memref<1x16x128xf32, #tpu.memory_space<vmem>>
        %dma_start3A_201 = tpu.memref_squeeze %dma_start3A_200 : memref<1x16x128xf32, #tpu.memory_space<vmem>> -> memref<16x128xf32, #tpu.memory_space<vmem>>
        %dma_start3A_202 = arith.constant 0 : i32
        %dma_start3A_203 = tpu.memref_slice %arg10[%dma_start3A_202] : memref<64xi32, #tpu.memory_space<vmem>> -> memref<16xi32, #tpu.memory_space<vmem>>
        %dma_start3A_204 = arith.constant 0 : i32
        %dma_start3A_205 = arith.constant 0 : i32
        %dma_start3A_206 = tpu.memref_slice %arg12[%dma_start3A_204, %dma_start3A_205] : memref<5064x128xf32, #tpu.memory_space<vmem_shared>> -> memref<5064x128xf32, #tpu.memory_space<vmem_shared>>
        tpu.enqueue_indirect_dma source(%dma_start3A_201 : memref<16x128xf32, #tpu.memory_space<vmem>>) target(%dma_start3A_206 : memref<5064x128xf32, #tpu.memory_space<vmem_shared>>) offsets(%dma_start3A_203 : memref<16xi32, #tpu.memory_space<vmem>>) semaphore(%arg15 : memref<!tpu.dma_semaphore, #tpu.memory_space<semaphore_mem>>) {add = true}
        %ge3A_207 = arith.constant 2 : i32
        %ge3A_208 = arith.cmpi sge, %add3A_93, %ge3A_207 : i32
        %convert_element_type3A_209 = arith.extui %ge3A_208 : i1 to i32
        %cond3A_210 = arith.constant 0 : i32
        %cond3A_211 = arith.cmpi ne, %convert_element_type3A_209, %cond3A_210 : i32
        scf.if %cond3A_211 {
          %dma_wait3A_639 = arith.constant 2 : i32
          %dma_wait3A_640 = arith.constant 0 : i32
          %dma_wait3A_641 = arith.constant 0 : i32
          %dma_wait3A_642 = tpu.memref_slice %arg9[%dma_wait3A_639, %dma_wait3A_640, %dma_wait3A_641] : memref<4x16x128xf32, #tpu.memory_space<vmem>> -> memref<1x16x128xf32, #tpu.memory_space<vmem>>
          %dma_wait3A_643 = tpu.memref_squeeze %dma_wait3A_642 : memref<1x16x128xf32, #tpu.memory_space<vmem>> -> memref<16x128xf32, #tpu.memory_space<vmem>>
          %dma_wait3A_644 = arith.constant 32 : i32
          %dma_wait3A_645 = tpu.memref_slice %arg10[%dma_wait3A_644] : memref<64xi32, #tpu.memory_space<vmem>> -> memref<16xi32, #tpu.memory_space<vmem>>
          %dma_wait3A_646 = arith.constant 0 : i32
          %dma_wait3A_647 = arith.constant 0 : i32
          %dma_wait3A_648 = tpu.memref_slice %arg12[%dma_wait3A_646, %dma_wait3A_647] : memref<5064x128xf32, #tpu.memory_space<vmem_shared>> -> memref<5064x128xf32, #tpu.memory_space<vmem_shared>>
          tpu.wait_indirect_dma semaphore(%arg17 : memref<!tpu.dma_semaphore, #tpu.memory_space<semaphore_mem>>) src(%dma_wait3A_643 : memref<16x128xf32, #tpu.memory_space<vmem>>) dst(%dma_wait3A_648 : memref<5064x128xf32, #tpu.memory_space<vmem_shared>>)
        } else {
        }
        %add3A_212 = arith.constant 2 : i32
        %add3A_213 = arith.addi %add3A_93, %add3A_212 : i32
        %lt3A_214 = arith.constant 64 : i32
        %lt3A_215 = arith.cmpi slt, %add3A_213, %lt3A_214 : i32
        %convert_element_type3A_216 = arith.extui %lt3A_215 : i1 to i32
        %cond3A_217 = arith.constant 0 : i32
        %cond3A_218 = arith.cmpi ne, %convert_element_type3A_216, %cond3A_217 : i32
        scf.if %cond3A_218 {
          %add3A_639 = arith.constant 2 : i32
          %add3A_640 = arith.addi %add3A_93, %add3A_639 : i32
          %jit3A_641 = arith.constant 8 : i32
          %div3A_642 = arith.divsi %add3A_640, %jit3A_641 : i32
          %sign3A_643 = arith.constant 0 : i32
          %sign3A_644 = arith.cmpi sgt, %add3A_640, %sign3A_643 : i32
          %sign3A_645 = arith.extui %sign3A_644 : i1 to i32
          %sign3A_646 = arith.constant 0 : i32
          %sign3A_647 = arith.cmpi slt, %add3A_640, %sign3A_646 : i32
          %sign3A_648 = arith.extui %sign3A_647 : i1 to i32
          %sign3A_649 = arith.subi %sign3A_645, %sign3A_648 : i32
          %sign3A_650 = arith.constant 0 : i32
          %sign3A_651 = arith.cmpi sgt, %jit3A_641, %sign3A_650 : i32
          %sign3A_652 = arith.extui %sign3A_651 : i1 to i32
          %sign3A_653 = arith.constant 0 : i32
          %sign3A_654 = arith.cmpi slt, %jit3A_641, %sign3A_653 : i32
          %sign3A_655 = arith.extui %sign3A_654 : i1 to i32
          %sign3A_656 = arith.subi %sign3A_652, %sign3A_655 : i32
          %ne3A_657 = arith.cmpi ne, %sign3A_649, %sign3A_656 : i32
          %rem3A_658 = arith.remsi %add3A_640, %jit3A_641 : i32
          %ne3A_659 = arith.constant 0 : i32
          %ne3A_660 = arith.cmpi ne, %rem3A_658, %ne3A_659 : i32
          %and3A_661 = arith.andi %ne3A_657, %ne3A_660 : i1
          %sub3A_662 = arith.constant 1 : i32
          %sub3A_663 = arith.subi %div3A_642, %sub3A_662 : i32
          %select_n3A_664 = arith.select %and3A_661, %sub3A_663, %div3A_642 : i32
          %jit3A_665 = arith.constant 8 : i32
          %eq3A_666 = arith.constant 0 : i32
          %eq3A_667 = arith.cmpi eq, %jit3A_665, %eq3A_666 : i32
          %jit3A_668 = arith.constant 1 : i32
          %select_n3A_669 = arith.select %eq3A_667, %jit3A_668, %jit3A_665 : i32
          %rem3A_670 = arith.remsi %add3A_640, %select_n3A_669 : i32
          %ne3A_671 = arith.constant 0 : i32
          %ne3A_672 = arith.cmpi ne, %rem3A_670, %ne3A_671 : i32
          %lt3A_673 = arith.constant 0 : i32
          %lt3A_674 = arith.cmpi slt, %rem3A_670, %lt3A_673 : i32
          %lt3A_675 = arith.constant 0 : i32
          %lt3A_676 = arith.cmpi slt, %select_n3A_669, %lt3A_675 : i32
          %ne3A_677 = arith.xori %lt3A_674, %lt3A_676 : i1
          %and3A_678 = arith.andi %ne3A_677, %ne3A_672 : i1
          %add3A_679 = arith.addi %rem3A_670, %select_n3A_669 : i32
          %select_n3A_680 = arith.select %and3A_678, %add3A_679, %rem3A_670 : i32
          %mul3A_681 = arith.constant 16 : i32
          %mul3A_682 = arith.muli %select_n3A_680, %mul3A_681 : i32
          %dma_start3A_683 = arith.constant 2 : i32
          %dma_start3A_684 = arith.constant 0 : i32
          %dma_start3A_685 = arith.constant 0 : i32
          %dma_start3A_686 = tpu.memref_slice %arg9[%dma_start3A_683, %dma_start3A_684, %dma_start3A_685] : memref<4x16x128xf32, #tpu.memory_space<vmem>> -> memref<1x16x128xf32, #tpu.memory_space<vmem>>
          %dma_start3A_687 = tpu.memref_squeeze %dma_start3A_686 : memref<1x16x128xf32, #tpu.memory_space<vmem>> -> memref<16x128xf32, #tpu.memory_space<vmem>>
          %dma_start3A_688 = tpu.memref_slice %arg7[%select_n3A_664, %mul3A_682] : memref<8x128xi32, #tpu.memory_space<vmem>> -> memref<1x16xi32, #tpu.memory_space<vmem>>
          %dma_start3A_689 = tpu.memref_squeeze %dma_start3A_688 : memref<1x16xi32, #tpu.memory_space<vmem>> -> memref<16xi32, #tpu.memory_space<vmem>>
          %dma_start3A_690 = arith.constant 0 : i32
          %dma_start3A_691 = arith.constant 0 : i32
          %dma_start3A_692 = tpu.memref_slice %arg11[%dma_start3A_690, %dma_start3A_691] : memref<10000x128xf32, #tpu.memory_space<vmem_shared>> -> memref<10000x128xf32, #tpu.memory_space<vmem_shared>>
          tpu.enqueue_indirect_dma source(%dma_start3A_692 : memref<10000x128xf32, #tpu.memory_space<vmem_shared>>) target(%dma_start3A_687 : memref<16x128xf32, #tpu.memory_space<vmem>>) offsets(%dma_start3A_689 : memref<16xi32, #tpu.memory_space<vmem>>) semaphore(%arg13 : memref<!tpu.dma_semaphore, #tpu.memory_space<semaphore_mem>>)
        } else {
        }
        %mul3A_219 = arith.constant 4 : i32
        %mul3A_220 = arith.muli %mul3A_219, %scan3A_89 : i32
        %add3A_221 = arith.constant 1 : i32
        %add3A_222 = arith.addi %mul3A_220, %add3A_221 : i32
        %jit3A_223 = arith.constant 8 : i32
        %div3A_224 = arith.divsi %add3A_222, %jit3A_223 : i32
        %sign3A_225 = arith.constant 0 : i32
        %sign3A_226 = arith.cmpi sgt, %add3A_222, %sign3A_225 : i32
        %sign3A_227 = arith.extui %sign3A_226 : i1 to i32
        %sign3A_228 = arith.constant 0 : i32
        %sign3A_229 = arith.cmpi slt, %add3A_222, %sign3A_228 : i32
        %sign3A_230 = arith.extui %sign3A_229 : i1 to i32
        %sign3A_231 = arith.subi %sign3A_227, %sign3A_230 : i32
        %sign3A_232 = arith.constant 0 : i32
        %sign3A_233 = arith.cmpi sgt, %jit3A_223, %sign3A_232 : i32
        %sign3A_234 = arith.extui %sign3A_233 : i1 to i32
        %sign3A_235 = arith.constant 0 : i32
        %sign3A_236 = arith.cmpi slt, %jit3A_223, %sign3A_235 : i32
        %sign3A_237 = arith.extui %sign3A_236 : i1 to i32
        %sign3A_238 = arith.subi %sign3A_234, %sign3A_237 : i32
        %ne3A_239 = arith.cmpi ne, %sign3A_231, %sign3A_238 : i32
        %rem3A_240 = arith.remsi %add3A_222, %jit3A_223 : i32
        %ne3A_241 = arith.constant 0 : i32
        %ne3A_242 = arith.cmpi ne, %rem3A_240, %ne3A_241 : i32
        %and3A_243 = arith.andi %ne3A_239, %ne3A_242 : i1
        %sub3A_244 = arith.constant 1 : i32
        %sub3A_245 = arith.subi %div3A_224, %sub3A_244 : i32
        %select_n3A_246 = arith.select %and3A_243, %sub3A_245, %div3A_224 : i32
        %jit3A_247 = arith.constant 8 : i32
        %eq3A_248 = arith.constant 0 : i32
        %eq3A_249 = arith.cmpi eq, %jit3A_247, %eq3A_248 : i32
        %jit3A_250 = arith.constant 1 : i32
        %select_n3A_251 = arith.select %eq3A_249, %jit3A_250, %jit3A_247 : i32
        %rem3A_252 = arith.remsi %add3A_222, %select_n3A_251 : i32
        %ne3A_253 = arith.constant 0 : i32
        %ne3A_254 = arith.cmpi ne, %rem3A_252, %ne3A_253 : i32
        %lt3A_255 = arith.constant 0 : i32
        %lt3A_256 = arith.cmpi slt, %rem3A_252, %lt3A_255 : i32
        %lt3A_257 = arith.constant 0 : i32
        %lt3A_258 = arith.cmpi slt, %select_n3A_251, %lt3A_257 : i32
        %ne3A_259 = arith.xori %lt3A_256, %lt3A_258 : i1
        %and3A_260 = arith.andi %ne3A_259, %ne3A_254 : i1
        %add3A_261 = arith.addi %rem3A_252, %select_n3A_251 : i32
        %select_n3A_262 = arith.select %and3A_260, %add3A_261, %rem3A_252 : i32
        %mul3A_263 = arith.constant 16 : i32
        %mul3A_264 = arith.muli %select_n3A_262, %mul3A_263 : i32
        %dma_wait3A_265 = arith.constant 1 : i32
        %dma_wait3A_266 = arith.constant 0 : i32
        %dma_wait3A_267 = arith.constant 0 : i32
        %dma_wait3A_268 = tpu.memref_slice %arg9[%dma_wait3A_265, %dma_wait3A_266, %dma_wait3A_267] : memref<4x16x128xf32, #tpu.memory_space<vmem>> -> memref<1x16x128xf32, #tpu.memory_space<vmem>>
        %dma_wait3A_269 = tpu.memref_squeeze %dma_wait3A_268 : memref<1x16x128xf32, #tpu.memory_space<vmem>> -> memref<16x128xf32, #tpu.memory_space<vmem>>
        %dma_wait3A_270 = tpu.memref_slice %arg7[%select_n3A_246, %mul3A_264] : memref<8x128xi32, #tpu.memory_space<vmem>> -> memref<1x16xi32, #tpu.memory_space<vmem>>
        %dma_wait3A_271 = tpu.memref_squeeze %dma_wait3A_270 : memref<1x16xi32, #tpu.memory_space<vmem>> -> memref<16xi32, #tpu.memory_space<vmem>>
        %dma_wait3A_272 = arith.constant 0 : i32
        %dma_wait3A_273 = arith.constant 0 : i32
        %dma_wait3A_274 = tpu.memref_slice %arg11[%dma_wait3A_272, %dma_wait3A_273] : memref<10000x128xf32, #tpu.memory_space<vmem_shared>> -> memref<10000x128xf32, #tpu.memory_space<vmem_shared>>
        tpu.wait_indirect_dma semaphore(%arg14 : memref<!tpu.dma_semaphore, #tpu.memory_space<semaphore_mem>>) src(%dma_wait3A_274 : memref<10000x128xf32, #tpu.memory_space<vmem_shared>>) dst(%dma_wait3A_269 : memref<16x128xf32, #tpu.memory_space<vmem>>)
        %jit3A_275 = arith.constant 8 : i32
        %div3A_276 = arith.divsi %add3A_222, %jit3A_275 : i32
        %sign3A_277 = arith.constant 0 : i32
        %sign3A_278 = arith.cmpi sgt, %add3A_222, %sign3A_277 : i32
        %sign3A_279 = arith.extui %sign3A_278 : i1 to i32
        %sign3A_280 = arith.constant 0 : i32
        %sign3A_281 = arith.cmpi slt, %add3A_222, %sign3A_280 : i32
        %sign3A_282 = arith.extui %sign3A_281 : i1 to i32
        %sign3A_283 = arith.subi %sign3A_279, %sign3A_282 : i32
        %sign3A_284 = arith.constant 0 : i32
        %sign3A_285 = arith.cmpi sgt, %jit3A_275, %sign3A_284 : i32
        %sign3A_286 = arith.extui %sign3A_285 : i1 to i32
        %sign3A_287 = arith.constant 0 : i32
        %sign3A_288 = arith.cmpi slt, %jit3A_275, %sign3A_287 : i32
        %sign3A_289 = arith.extui %sign3A_288 : i1 to i32
        %sign3A_290 = arith.subi %sign3A_286, %sign3A_289 : i32
        %ne3A_291 = arith.cmpi ne, %sign3A_283, %sign3A_290 : i32
        %rem3A_292 = arith.remsi %add3A_222, %jit3A_275 : i32
        %ne3A_293 = arith.constant 0 : i32
        %ne3A_294 = arith.cmpi ne, %rem3A_292, %ne3A_293 : i32
        %and3A_295 = arith.andi %ne3A_291, %ne3A_294 : i1
        %sub3A_296 = arith.constant 1 : i32
        %sub3A_297 = arith.subi %div3A_276, %sub3A_296 : i32
        %select_n3A_298 = arith.select %and3A_295, %sub3A_297, %div3A_276 : i32
        %jit3A_299 = arith.constant 8 : i32
        %eq3A_300 = arith.constant 0 : i32
        %eq3A_301 = arith.cmpi eq, %jit3A_299, %eq3A_300 : i32
        %jit3A_302 = arith.constant 1 : i32
        %select_n3A_303 = arith.select %eq3A_301, %jit3A_302, %jit3A_299 : i32
        %rem3A_304 = arith.remsi %add3A_222, %select_n3A_303 : i32
        %ne3A_305 = arith.constant 0 : i32
        %ne3A_306 = arith.cmpi ne, %rem3A_304, %ne3A_305 : i32
        %lt3A_307 = arith.constant 0 : i32
        %lt3A_308 = arith.cmpi slt, %rem3A_304, %lt3A_307 : i32
        %lt3A_309 = arith.constant 0 : i32
        %lt3A_310 = arith.cmpi slt, %select_n3A_303, %lt3A_309 : i32
        %ne3A_311 = arith.xori %lt3A_308, %lt3A_310 : i1
        %and3A_312 = arith.andi %ne3A_311, %ne3A_306 : i1
        %add3A_313 = arith.addi %rem3A_304, %select_n3A_303 : i32
        %select_n3A_314 = arith.select %and3A_312, %add3A_313, %rem3A_304 : i32
        %mul3A_315 = arith.constant 16 : i32
        %mul3A_316 = arith.muli %select_n3A_314, %mul3A_315 : i32
        %get3A_317 = arith.index_cast %select_n3A_298 : i32 to index
        %get3A_318 = arith.index_cast %mul3A_316 : i32 to index
        %get3A_319 = tpu.vector_load %arg8[%get3A_317, %get3A_318] {strides = array<i32>} : memref<8x128xi32, #tpu.memory_space<vmem>>, vector<1x16xi32>,
        %get3A_320 = vector.shape_cast %get3A_319 : vector<1x16xi32> to vector<16xi32>
        %sub3A_321 = vector.broadcast %mul3A_6 : i32 to vector<16xi32>
        %sub3A_322 = arith.subi %get3A_320, %sub3A_321 : vector<16xi32>
        %ge3A_323 = arith.constant 0 : i32
        %ge3A_324 = vector.broadcast %ge3A_323 : i32 to vector<16xi32>
        %ge3A_325 = arith.cmpi sge, %sub3A_322, %ge3A_324 : vector<16xi32>
        %lt3A_326 = arith.constant 5056 : i32
        %lt3A_327 = vector.broadcast %lt3A_326 : i32 to vector<16xi32>
        %lt3A_328 = arith.cmpi slt, %sub3A_322, %lt3A_327 : vector<16xi32>
        %and3A_329 = arith.andi %ge3A_325, %lt3A_328 : vector<16xi1>
        %jit3A_330 = arith.constant 5063 : i32
        %broadcast_in_dim3A_331 = vector.broadcast %jit3A_330 : i32 to vector<16xi32>
        %select_n3A_332 = arith.select %and3A_329, %sub3A_322, %broadcast_in_dim3A_331 : vector<16xi1>, vector<16xi32>
        %swap3A_333 = arith.constant 16 : index
        %swap3A_334 = tpu.vector_load %arg10[%swap3A_333] {strides = array<i32>} : memref<64xi32, #tpu.memory_space<vmem>>, vector<16xi32>,
        %swap3A_335 = vector.shape_cast %swap3A_334 : vector<16xi32> to vector<16xi32>
        %swap3A_336 = vector.shape_cast %select_n3A_332 : vector<16xi32> to vector<16xi32>
        tpu.vector_store %arg10[%swap3A_333], %swap3A_336 {strides = array<i32>} : memref<64xi32, #tpu.memory_space<vmem>>, vector<16xi32>,
        %dma_start3A_337 = arith.constant 1 : i32
        %dma_start3A_338 = arith.constant 0 : i32
        %dma_start3A_339 = arith.constant 0 : i32
        %dma_start3A_340 = tpu.memref_slice %arg9[%dma_start3A_337, %dma_start3A_338, %dma_start3A_339] : memref<4x16x128xf32, #tpu.memory_space<vmem>> -> memref<1x16x128xf32, #tpu.memory_space<vmem>>
        %dma_start3A_341 = tpu.memref_squeeze %dma_start3A_340 : memref<1x16x128xf32, #tpu.memory_space<vmem>> -> memref<16x128xf32, #tpu.memory_space<vmem>>
        %dma_start3A_342 = arith.constant 16 : i32
        %dma_start3A_343 = tpu.memref_slice %arg10[%dma_start3A_342] : memref<64xi32, #tpu.memory_space<vmem>> -> memref<16xi32, #tpu.memory_space<vmem>>
        %dma_start3A_344 = arith.constant 0 : i32
        %dma_start3A_345 = arith.constant 0 : i32
        %dma_start3A_346 = tpu.memref_slice %arg12[%dma_start3A_344, %dma_start3A_345] : memref<5064x128xf32, #tpu.memory_space<vmem_shared>> -> memref<5064x128xf32, #tpu.memory_space<vmem_shared>>
        tpu.enqueue_indirect_dma source(%dma_start3A_341 : memref<16x128xf32, #tpu.memory_space<vmem>>) target(%dma_start3A_346 : memref<5064x128xf32, #tpu.memory_space<vmem_shared>>) offsets(%dma_start3A_343 : memref<16xi32, #tpu.memory_space<vmem>>) semaphore(%arg16 : memref<!tpu.dma_semaphore, #tpu.memory_space<semaphore_mem>>) {add = true}
        %ge3A_347 = arith.constant 2 : i32
        %ge3A_348 = arith.cmpi sge, %add3A_222, %ge3A_347 : i32
        %convert_element_type3A_349 = arith.extui %ge3A_348 : i1 to i32
        %cond3A_350 = arith.constant 0 : i32
        %cond3A_351 = arith.cmpi ne, %convert_element_type3A_349, %cond3A_350 : i32
        scf.if %cond3A_351 {
          %dma_wait3A_639 = arith.constant 3 : i32
          %dma_wait3A_640 = arith.constant 0 : i32
          %dma_wait3A_641 = arith.constant 0 : i32
          %dma_wait3A_642 = tpu.memref_slice %arg9[%dma_wait3A_639, %dma_wait3A_640, %dma_wait3A_641] : memref<4x16x128xf32, #tpu.memory_space<vmem>> -> memref<1x16x128xf32, #tpu.memory_space<vmem>>
          %dma_wait3A_643 = tpu.memref_squeeze %dma_wait3A_642 : memref<1x16x128xf32, #tpu.memory_space<vmem>> -> memref<16x128xf32, #tpu.memory_space<vmem>>
          %dma_wait3A_644 = arith.constant 48 : i32
          %dma_wait3A_645 = tpu.memref_slice %arg10[%dma_wait3A_644] : memref<64xi32, #tpu.memory_space<vmem>> -> memref<16xi32, #tpu.memory_space<vmem>>
          %dma_wait3A_646 = arith.constant 0 : i32
          %dma_wait3A_647 = arith.constant 0 : i32
          %dma_wait3A_648 = tpu.memref_slice %arg12[%dma_wait3A_646, %dma_wait3A_647] : memref<5064x128xf32, #tpu.memory_space<vmem_shared>> -> memref<5064x128xf32, #tpu.memory_space<vmem_shared>>
          tpu.wait_indirect_dma semaphore(%arg18 : memref<!tpu.dma_semaphore, #tpu.memory_space<semaphore_mem>>) src(%dma_wait3A_643 : memref<16x128xf32, #tpu.memory_space<vmem>>) dst(%dma_wait3A_648 : memref<5064x128xf32, #tpu.memory_space<vmem_shared>>)
        } else {
        }
        %add3A_352 = arith.constant 2 : i32
        %add3A_353 = arith.addi %add3A_222, %add3A_352 : i32
        %lt3A_354 = arith.constant 64 : i32
        %lt3A_355 = arith.cmpi slt, %add3A_353, %lt3A_354 : i32
        %convert_element_type3A_356 = arith.extui %lt3A_355 : i1 to i32
        %cond3A_357 = arith.constant 0 : i32
        %cond3A_358 = arith.cmpi ne, %convert_element_type3A_356, %cond3A_357 : i32
        scf.if %cond3A_358 {
          %add3A_639 = arith.constant 2 : i32
          %add3A_640 = arith.addi %add3A_222, %add3A_639 : i32
          %jit3A_641 = arith.constant 8 : i32
          %div3A_642 = arith.divsi %add3A_640, %jit3A_641 : i32
          %sign3A_643 = arith.constant 0 : i32
          %sign3A_644 = arith.cmpi sgt, %add3A_640, %sign3A_643 : i32
          %sign3A_645 = arith.extui %sign3A_644 : i1 to i32
          %sign3A_646 = arith.constant 0 : i32
          %sign3A_647 = arith.cmpi slt, %add3A_640, %sign3A_646 : i32
          %sign3A_648 = arith.extui %sign3A_647 : i1 to i32
          %sign3A_649 = arith.subi %sign3A_645, %sign3A_648 : i32
          %sign3A_650 = arith.constant 0 : i32
          %sign3A_651 = arith.cmpi sgt, %jit3A_641, %sign3A_650 : i32
          %sign3A_652 = arith.extui %sign3A_651 : i1 to i32
          %sign3A_653 = arith.constant 0 : i32
          %sign3A_654 = arith.cmpi slt, %jit3A_641, %sign3A_653 : i32
          %sign3A_655 = arith.extui %sign3A_654 : i1 to i32
          %sign3A_656 = arith.subi %sign3A_652, %sign3A_655 : i32
          %ne3A_657 = arith.cmpi ne, %sign3A_649, %sign3A_656 : i32
          %rem3A_658 = arith.remsi %add3A_640, %jit3A_641 : i32
          %ne3A_659 = arith.constant 0 : i32
          %ne3A_660 = arith.cmpi ne, %rem3A_658, %ne3A_659 : i32
          %and3A_661 = arith.andi %ne3A_657, %ne3A_660 : i1
          %sub3A_662 = arith.constant 1 : i32
          %sub3A_663 = arith.subi %div3A_642, %sub3A_662 : i32
          %select_n3A_664 = arith.select %and3A_661, %sub3A_663, %div3A_642 : i32
          %jit3A_665 = arith.constant 8 : i32
          %eq3A_666 = arith.constant 0 : i32
          %eq3A_667 = arith.cmpi eq, %jit3A_665, %eq3A_666 : i32
          %jit3A_668 = arith.constant 1 : i32
          %select_n3A_669 = arith.select %eq3A_667, %jit3A_668, %jit3A_665 : i32
          %rem3A_670 = arith.remsi %add3A_640, %select_n3A_669 : i32
          %ne3A_671 = arith.constant 0 : i32
          %ne3A_672 = arith.cmpi ne, %rem3A_670, %ne3A_671 : i32
          %lt3A_673 = arith.constant 0 : i32
          %lt3A_674 = arith.cmpi slt, %rem3A_670, %lt3A_673 : i32
          %lt3A_675 = arith.constant 0 : i32
          %lt3A_676 = arith.cmpi slt, %select_n3A_669, %lt3A_675 : i32
          %ne3A_677 = arith.xori %lt3A_674, %lt3A_676 : i1
          %and3A_678 = arith.andi %ne3A_677, %ne3A_672 : i1
          %add3A_679 = arith.addi %rem3A_670, %select_n3A_669 : i32
          %select_n3A_680 = arith.select %and3A_678, %add3A_679, %rem3A_670 : i32
          %mul3A_681 = arith.constant 16 : i32
          %mul3A_682 = arith.muli %select_n3A_680, %mul3A_681 : i32
          %dma_start3A_683 = arith.constant 3 : i32
          %dma_start3A_684 = arith.constant 0 : i32
          %dma_start3A_685 = arith.constant 0 : i32
          %dma_start3A_686 = tpu.memref_slice %arg9[%dma_start3A_683, %dma_start3A_684, %dma_start3A_685] : memref<4x16x128xf32, #tpu.memory_space<vmem>> -> memref<1x16x128xf32, #tpu.memory_space<vmem>>
          %dma_start3A_687 = tpu.memref_squeeze %dma_start3A_686 : memref<1x16x128xf32, #tpu.memory_space<vmem>> -> memref<16x128xf32, #tpu.memory_space<vmem>>
          %dma_start3A_688 = tpu.memref_slice %arg7[%select_n3A_664, %mul3A_682] : memref<8x128xi32, #tpu.memory_space<vmem>> -> memref<1x16xi32, #tpu.memory_space<vmem>>
          %dma_start3A_689 = tpu.memref_squeeze %dma_start3A_688 : memref<1x16xi32, #tpu.memory_space<vmem>> -> memref<16xi32, #tpu.memory_space<vmem>>
          %dma_start3A_690 = arith.constant 0 : i32
          %dma_start3A_691 = arith.constant 0 : i32
          %dma_start3A_692 = tpu.memref_slice %arg11[%dma_start3A_690, %dma_start3A_691] : memref<10000x128xf32, #tpu.memory_space<vmem_shared>> -> memref<10000x128xf32, #tpu.memory_space<vmem_shared>>
          tpu.enqueue_indirect_dma source(%dma_start3A_692 : memref<10000x128xf32, #tpu.memory_space<vmem_shared>>) target(%dma_start3A_687 : memref<16x128xf32, #tpu.memory_space<vmem>>) offsets(%dma_start3A_689 : memref<16xi32, #tpu.memory_space<vmem>>) semaphore(%arg14 : memref<!tpu.dma_semaphore, #tpu.memory_space<semaphore_mem>>)
        } else {
        }
        %mul3A_359 = arith.constant 4 : i32
        %mul3A_360 = arith.muli %mul3A_359, %scan3A_89 : i32
        %add3A_361 = arith.constant 2 : i32
        %add3A_362 = arith.addi %mul3A_360, %add3A_361 : i32
        %jit3A_363 = arith.constant 8 : i32
        %div3A_364 = arith.divsi %add3A_362, %jit3A_363 : i32
        %sign3A_365 = arith.constant 0 : i32
        %sign3A_366 = arith.cmpi sgt, %add3A_362, %sign3A_365 : i32
        %sign3A_367 = arith.extui %sign3A_366 : i1 to i32
        %sign3A_368 = arith.constant 0 : i32
        %sign3A_369 = arith.cmpi slt, %add3A_362, %sign3A_368 : i32
        %sign3A_370 = arith.extui %sign3A_369 : i1 to i32
        %sign3A_371 = arith.subi %sign3A_367, %sign3A_370 : i32
        %sign3A_372 = arith.constant 0 : i32
        %sign3A_373 = arith.cmpi sgt, %jit3A_363, %sign3A_372 : i32
        %sign3A_374 = arith.extui %sign3A_373 : i1 to i32
        %sign3A_375 = arith.constant 0 : i32
        %sign3A_376 = arith.cmpi slt, %jit3A_363, %sign3A_375 : i32
        %sign3A_377 = arith.extui %sign3A_376 : i1 to i32
        %sign3A_378 = arith.subi %sign3A_374, %sign3A_377 : i32
        %ne3A_379 = arith.cmpi ne, %sign3A_371, %sign3A_378 : i32
        %rem3A_380 = arith.remsi %add3A_362, %jit3A_363 : i32
        %ne3A_381 = arith.constant 0 : i32
        %ne3A_382 = arith.cmpi ne, %rem3A_380, %ne3A_381 : i32
        %and3A_383 = arith.andi %ne3A_379, %ne3A_382 : i1
        %sub3A_384 = arith.constant 1 : i32
        %sub3A_385 = arith.subi %div3A_364, %sub3A_384 : i32
        %select_n3A_386 = arith.select %and3A_383, %sub3A_385, %div3A_364 : i32
        %jit3A_387 = arith.constant 8 : i32
        %eq3A_388 = arith.constant 0 : i32
        %eq3A_389 = arith.cmpi eq, %jit3A_387, %eq3A_388 : i32
        %jit3A_390 = arith.constant 1 : i32
        %select_n3A_391 = arith.select %eq3A_389, %jit3A_390, %jit3A_387 : i32
        %rem3A_392 = arith.remsi %add3A_362, %select_n3A_391 : i32
        %ne3A_393 = arith.constant 0 : i32
        %ne3A_394 = arith.cmpi ne, %rem3A_392, %ne3A_393 : i32
        %lt3A_395 = arith.constant 0 : i32
        %lt3A_396 = arith.cmpi slt, %rem3A_392, %lt3A_395 : i32
        %lt3A_397 = arith.constant 0 : i32
        %lt3A_398 = arith.cmpi slt, %select_n3A_391, %lt3A_397 : i32
        %ne3A_399 = arith.xori %lt3A_396, %lt3A_398 : i1
        %and3A_400 = arith.andi %ne3A_399, %ne3A_394 : i1
        %add3A_401 = arith.addi %rem3A_392, %select_n3A_391 : i32
        %select_n3A_402 = arith.select %and3A_400, %add3A_401, %rem3A_392 : i32
        %mul3A_403 = arith.constant 16 : i32
        %mul3A_404 = arith.muli %select_n3A_402, %mul3A_403 : i32
        %dma_wait3A_405 = arith.constant 2 : i32
        %dma_wait3A_406 = arith.constant 0 : i32
        %dma_wait3A_407 = arith.constant 0 : i32
        %dma_wait3A_408 = tpu.memref_slice %arg9[%dma_wait3A_405, %dma_wait3A_406, %dma_wait3A_407] : memref<4x16x128xf32, #tpu.memory_space<vmem>> -> memref<1x16x128xf32, #tpu.memory_space<vmem>>
        %dma_wait3A_409 = tpu.memref_squeeze %dma_wait3A_408 : memref<1x16x128xf32, #tpu.memory_space<vmem>> -> memref<16x128xf32, #tpu.memory_space<vmem>>
        %dma_wait3A_410 = tpu.memref_slice %arg7[%select_n3A_386, %mul3A_404] : memref<8x128xi32, #tpu.memory_space<vmem>> -> memref<1x16xi32, #tpu.memory_space<vmem>>
        %dma_wait3A_411 = tpu.memref_squeeze %dma_wait3A_410 : memref<1x16xi32, #tpu.memory_space<vmem>> -> memref<16xi32, #tpu.memory_space<vmem>>
        %dma_wait3A_412 = arith.constant 0 : i32
        %dma_wait3A_413 = arith.constant 0 : i32
        %dma_wait3A_414 = tpu.memref_slice %arg11[%dma_wait3A_412, %dma_wait3A_413] : memref<10000x128xf32, #tpu.memory_space<vmem_shared>> -> memref<10000x128xf32, #tpu.memory_space<vmem_shared>>
        tpu.wait_indirect_dma semaphore(%arg13 : memref<!tpu.dma_semaphore, #tpu.memory_space<semaphore_mem>>) src(%dma_wait3A_414 : memref<10000x128xf32, #tpu.memory_space<vmem_shared>>) dst(%dma_wait3A_409 : memref<16x128xf32, #tpu.memory_space<vmem>>)
        %jit3A_415 = arith.constant 8 : i32
        %div3A_416 = arith.divsi %add3A_362, %jit3A_415 : i32
        %sign3A_417 = arith.constant 0 : i32
        %sign3A_418 = arith.cmpi sgt, %add3A_362, %sign3A_417 : i32
        %sign3A_419 = arith.extui %sign3A_418 : i1 to i32
        %sign3A_420 = arith.constant 0 : i32
        %sign3A_421 = arith.cmpi slt, %add3A_362, %sign3A_420 : i32
        %sign3A_422 = arith.extui %sign3A_421 : i1 to i32
        %sign3A_423 = arith.subi %sign3A_419, %sign3A_422 : i32
        %sign3A_424 = arith.constant 0 : i32
        %sign3A_425 = arith.cmpi sgt, %jit3A_415, %sign3A_424 : i32
        %sign3A_426 = arith.extui %sign3A_425 : i1 to i32
        %sign3A_427 = arith.constant 0 : i32
        %sign3A_428 = arith.cmpi slt, %jit3A_415, %sign3A_427 : i32
        %sign3A_429 = arith.extui %sign3A_428 : i1 to i32
        %sign3A_430 = arith.subi %sign3A_426, %sign3A_429 : i32
        %ne3A_431 = arith.cmpi ne, %sign3A_423, %sign3A_430 : i32
        %rem3A_432 = arith.remsi %add3A_362, %jit3A_415 : i32
        %ne3A_433 = arith.constant 0 : i32
        %ne3A_434 = arith.cmpi ne, %rem3A_432, %ne3A_433 : i32
        %and3A_435 = arith.andi %ne3A_431, %ne3A_434 : i1
        %sub3A_436 = arith.constant 1 : i32
        %sub3A_437 = arith.subi %div3A_416, %sub3A_436 : i32
        %select_n3A_438 = arith.select %and3A_435, %sub3A_437, %div3A_416 : i32
        %jit3A_439 = arith.constant 8 : i32
        %eq3A_440 = arith.constant 0 : i32
        %eq3A_441 = arith.cmpi eq, %jit3A_439, %eq3A_440 : i32
        %jit3A_442 = arith.constant 1 : i32
        %select_n3A_443 = arith.select %eq3A_441, %jit3A_442, %jit3A_439 : i32
        %rem3A_444 = arith.remsi %add3A_362, %select_n3A_443 : i32
        %ne3A_445 = arith.constant 0 : i32
        %ne3A_446 = arith.cmpi ne, %rem3A_444, %ne3A_445 : i32
        %lt3A_447 = arith.constant 0 : i32
        %lt3A_448 = arith.cmpi slt, %rem3A_444, %lt3A_447 : i32
        %lt3A_449 = arith.constant 0 : i32
        %lt3A_450 = arith.cmpi slt, %select_n3A_443, %lt3A_449 : i32
        %ne3A_451 = arith.xori %lt3A_448, %lt3A_450 : i1
        %and3A_452 = arith.andi %ne3A_451, %ne3A_446 : i1
        %add3A_453 = arith.addi %rem3A_444, %select_n3A_443 : i32
        %select_n3A_454 = arith.select %and3A_452, %add3A_453, %rem3A_444 : i32
        %mul3A_455 = arith.constant 16 : i32
        %mul3A_456 = arith.muli %select_n3A_454, %mul3A_455 : i32
        %get3A_457 = arith.index_cast %select_n3A_438 : i32 to index
        %get3A_458 = arith.index_cast %mul3A_456 : i32 to index
        %get3A_459 = tpu.vector_load %arg8[%get3A_457, %get3A_458] {strides = array<i32>} : memref<8x128xi32, #tpu.memory_space<vmem>>, vector<1x16xi32>,
        %get3A_460 = vector.shape_cast %get3A_459 : vector<1x16xi32> to vector<16xi32>
        %sub3A_461 = vector.broadcast %mul3A_6 : i32 to vector<16xi32>
        %sub3A_462 = arith.subi %get3A_460, %sub3A_461 : vector<16xi32>
        %ge3A_463 = arith.constant 0 : i32
        %ge3A_464 = vector.broadcast %ge3A_463 : i32 to vector<16xi32>
        %ge3A_465 = arith.cmpi sge, %sub3A_462, %ge3A_464 : vector<16xi32>
        %lt3A_466 = arith.constant 5056 : i32
        %lt3A_467 = vector.broadcast %lt3A_466 : i32 to vector<16xi32>
        %lt3A_468 = arith.cmpi slt, %sub3A_462, %lt3A_467 : vector<16xi32>
        %and3A_469 = arith.andi %ge3A_465, %lt3A_468 : vector<16xi1>
        %jit3A_470 = arith.constant 5063 : i32
        %broadcast_in_dim3A_471 = vector.broadcast %jit3A_470 : i32 to vector<16xi32>
        %select_n3A_472 = arith.select %and3A_469, %sub3A_462, %broadcast_in_dim3A_471 : vector<16xi1>, vector<16xi32>
        %swap3A_473 = arith.constant 32 : index
        %swap3A_474 = tpu.vector_load %arg10[%swap3A_473] {strides = array<i32>} : memref<64xi32, #tpu.memory_space<vmem>>, vector<16xi32>,
        %swap3A_475 = vector.shape_cast %swap3A_474 : vector<16xi32> to vector<16xi32>
        %swap3A_476 = vector.shape_cast %select_n3A_472 : vector<16xi32> to vector<16xi32>
        tpu.vector_store %arg10[%swap3A_473], %swap3A_476 {strides = array<i32>} : memref<64xi32, #tpu.memory_space<vmem>>, vector<16xi32>,
        %dma_start3A_477 = arith.constant 2 : i32
        %dma_start3A_478 = arith.constant 0 : i32
        %dma_start3A_479 = arith.constant 0 : i32
        %dma_start3A_480 = tpu.memref_slice %arg9[%dma_start3A_477, %dma_start3A_478, %dma_start3A_479] : memref<4x16x128xf32, #tpu.memory_space<vmem>> -> memref<1x16x128xf32, #tpu.memory_space<vmem>>
        %dma_start3A_481 = tpu.memref_squeeze %dma_start3A_480 : memref<1x16x128xf32, #tpu.memory_space<vmem>> -> memref<16x128xf32, #tpu.memory_space<vmem>>
        %dma_start3A_482 = arith.constant 32 : i32
        %dma_start3A_483 = tpu.memref_slice %arg10[%dma_start3A_482] : memref<64xi32, #tpu.memory_space<vmem>> -> memref<16xi32, #tpu.memory_space<vmem>>
        %dma_start3A_484 = arith.constant 0 : i32
        %dma_start3A_485 = arith.constant 0 : i32
        %dma_start3A_486 = tpu.memref_slice %arg12[%dma_start3A_484, %dma_start3A_485] : memref<5064x128xf32, #tpu.memory_space<vmem_shared>> -> memref<5064x128xf32, #tpu.memory_space<vmem_shared>>
        tpu.enqueue_indirect_dma source(%dma_start3A_481 : memref<16x128xf32, #tpu.memory_space<vmem>>) target(%dma_start3A_486 : memref<5064x128xf32, #tpu.memory_space<vmem_shared>>) offsets(%dma_start3A_483 : memref<16xi32, #tpu.memory_space<vmem>>) semaphore(%arg17 : memref<!tpu.dma_semaphore, #tpu.memory_space<semaphore_mem>>) {add = true}
        %ge3A_487 = arith.constant 2 : i32
        %ge3A_488 = arith.cmpi sge, %add3A_362, %ge3A_487 : i32
        %convert_element_type3A_489 = arith.extui %ge3A_488 : i1 to i32
        %cond3A_490 = arith.constant 0 : i32
        %cond3A_491 = arith.cmpi ne, %convert_element_type3A_489, %cond3A_490 : i32
        scf.if %cond3A_491 {
          %dma_wait3A_639 = arith.constant 0 : i32
          %dma_wait3A_640 = arith.constant 0 : i32
          %dma_wait3A_641 = arith.constant 0 : i32
          %dma_wait3A_642 = tpu.memref_slice %arg9[%dma_wait3A_639, %dma_wait3A_640, %dma_wait3A_641] : memref<4x16x128xf32, #tpu.memory_space<vmem>> -> memref<1x16x128xf32, #tpu.memory_space<vmem>>
          %dma_wait3A_643 = tpu.memref_squeeze %dma_wait3A_642 : memref<1x16x128xf32, #tpu.memory_space<vmem>> -> memref<16x128xf32, #tpu.memory_space<vmem>>
          %dma_wait3A_644 = arith.constant 0 : i32
          %dma_wait3A_645 = tpu.memref_slice %arg10[%dma_wait3A_644] : memref<64xi32, #tpu.memory_space<vmem>> -> memref<16xi32, #tpu.memory_space<vmem>>
          %dma_wait3A_646 = arith.constant 0 : i32
          %dma_wait3A_647 = arith.constant 0 : i32
          %dma_wait3A_648 = tpu.memref_slice %arg12[%dma_wait3A_646, %dma_wait3A_647] : memref<5064x128xf32, #tpu.memory_space<vmem_shared>> -> memref<5064x128xf32, #tpu.memory_space<vmem_shared>>
          tpu.wait_indirect_dma semaphore(%arg15 : memref<!tpu.dma_semaphore, #tpu.memory_space<semaphore_mem>>) src(%dma_wait3A_643 : memref<16x128xf32, #tpu.memory_space<vmem>>) dst(%dma_wait3A_648 : memref<5064x128xf32, #tpu.memory_space<vmem_shared>>)
        } else {
        }
        %add3A_492 = arith.constant 2 : i32
        %add3A_493 = arith.addi %add3A_362, %add3A_492 : i32
        %lt3A_494 = arith.constant 64 : i32
        %lt3A_495 = arith.cmpi slt, %add3A_493, %lt3A_494 : i32
        %convert_element_type3A_496 = arith.extui %lt3A_495 : i1 to i32
        %cond3A_497 = arith.constant 0 : i32
        %cond3A_498 = arith.cmpi ne, %convert_element_type3A_496, %cond3A_497 : i32
        scf.if %cond3A_498 {
          %add3A_639 = arith.constant 2 : i32
          %add3A_640 = arith.addi %add3A_362, %add3A_639 : i32
          %jit3A_641 = arith.constant 8 : i32
          %div3A_642 = arith.divsi %add3A_640, %jit3A_641 : i32
          %sign3A_643 = arith.constant 0 : i32
          %sign3A_644 = arith.cmpi sgt, %add3A_640, %sign3A_643 : i32
          %sign3A_645 = arith.extui %sign3A_644 : i1 to i32
          %sign3A_646 = arith.constant 0 : i32
          %sign3A_647 = arith.cmpi slt, %add3A_640, %sign3A_646 : i32
          %sign3A_648 = arith.extui %sign3A_647 : i1 to i32
          %sign3A_649 = arith.subi %sign3A_645, %sign3A_648 : i32
          %sign3A_650 = arith.constant 0 : i32
          %sign3A_651 = arith.cmpi sgt, %jit3A_641, %sign3A_650 : i32
          %sign3A_652 = arith.extui %sign3A_651 : i1 to i32
          %sign3A_653 = arith.constant 0 : i32
          %sign3A_654 = arith.cmpi slt, %jit3A_641, %sign3A_653 : i32
          %sign3A_655 = arith.extui %sign3A_654 : i1 to i32
          %sign3A_656 = arith.subi %sign3A_652, %sign3A_655 : i32
          %ne3A_657 = arith.cmpi ne, %sign3A_649, %sign3A_656 : i32
          %rem3A_658 = arith.remsi %add3A_640, %jit3A_641 : i32
          %ne3A_659 = arith.constant 0 : i32
          %ne3A_660 = arith.cmpi ne, %rem3A_658, %ne3A_659 : i32
          %and3A_661 = arith.andi %ne3A_657, %ne3A_660 : i1
          %sub3A_662 = arith.constant 1 : i32
          %sub3A_663 = arith.subi %div3A_642, %sub3A_662 : i32
          %select_n3A_664 = arith.select %and3A_661, %sub3A_663, %div3A_642 : i32
          %jit3A_665 = arith.constant 8 : i32
          %eq3A_666 = arith.constant 0 : i32
          %eq3A_667 = arith.cmpi eq, %jit3A_665, %eq3A_666 : i32
          %jit3A_668 = arith.constant 1 : i32
          %select_n3A_669 = arith.select %eq3A_667, %jit3A_668, %jit3A_665 : i32
          %rem3A_670 = arith.remsi %add3A_640, %select_n3A_669 : i32
          %ne3A_671 = arith.constant 0 : i32
          %ne3A_672 = arith.cmpi ne, %rem3A_670, %ne3A_671 : i32
          %lt3A_673 = arith.constant 0 : i32
          %lt3A_674 = arith.cmpi slt, %rem3A_670, %lt3A_673 : i32
          %lt3A_675 = arith.constant 0 : i32
          %lt3A_676 = arith.cmpi slt, %select_n3A_669, %lt3A_675 : i32
          %ne3A_677 = arith.xori %lt3A_674, %lt3A_676 : i1
          %and3A_678 = arith.andi %ne3A_677, %ne3A_672 : i1
          %add3A_679 = arith.addi %rem3A_670, %select_n3A_669 : i32
          %select_n3A_680 = arith.select %and3A_678, %add3A_679, %rem3A_670 : i32
          %mul3A_681 = arith.constant 16 : i32
          %mul3A_682 = arith.muli %select_n3A_680, %mul3A_681 : i32
          %dma_start3A_683 = arith.constant 0 : i32
          %dma_start3A_684 = arith.constant 0 : i32
          %dma_start3A_685 = arith.constant 0 : i32
          %dma_start3A_686 = tpu.memref_slice %arg9[%dma_start3A_683, %dma_start3A_684, %dma_start3A_685] : memref<4x16x128xf32, #tpu.memory_space<vmem>> -> memref<1x16x128xf32, #tpu.memory_space<vmem>>
          %dma_start3A_687 = tpu.memref_squeeze %dma_start3A_686 : memref<1x16x128xf32, #tpu.memory_space<vmem>> -> memref<16x128xf32, #tpu.memory_space<vmem>>
          %dma_start3A_688 = tpu.memref_slice %arg7[%select_n3A_664, %mul3A_682] : memref<8x128xi32, #tpu.memory_space<vmem>> -> memref<1x16xi32, #tpu.memory_space<vmem>>
          %dma_start3A_689 = tpu.memref_squeeze %dma_start3A_688 : memref<1x16xi32, #tpu.memory_space<vmem>> -> memref<16xi32, #tpu.memory_space<vmem>>
          %dma_start3A_690 = arith.constant 0 : i32
          %dma_start3A_691 = arith.constant 0 : i32
          %dma_start3A_692 = tpu.memref_slice %arg11[%dma_start3A_690, %dma_start3A_691] : memref<10000x128xf32, #tpu.memory_space<vmem_shared>> -> memref<10000x128xf32, #tpu.memory_space<vmem_shared>>
          tpu.enqueue_indirect_dma source(%dma_start3A_692 : memref<10000x128xf32, #tpu.memory_space<vmem_shared>>) target(%dma_start3A_687 : memref<16x128xf32, #tpu.memory_space<vmem>>) offsets(%dma_start3A_689 : memref<16xi32, #tpu.memory_space<vmem>>) semaphore(%arg13 : memref<!tpu.dma_semaphore, #tpu.memory_space<semaphore_mem>>)
        } else {
        }
        %mul3A_499 = arith.constant 4 : i32
        %mul3A_500 = arith.muli %mul3A_499, %scan3A_89 : i32
        %add3A_501 = arith.constant 3 : i32
        %add3A_502 = arith.addi %mul3A_500, %add3A_501 : i32
        %jit3A_503 = arith.constant 8 : i32
        %div3A_504 = arith.divsi %add3A_502, %jit3A_503 : i32
        %sign3A_505 = arith.constant 0 : i32
        %sign3A_506 = arith.cmpi sgt, %add3A_502, %sign3A_505 : i32
        %sign3A_507 = arith.extui %sign3A_506 : i1 to i32
        %sign3A_508 = arith.constant 0 : i32
        %sign3A_509 = arith.cmpi slt, %add3A_502, %sign3A_508 : i32
        %sign3A_510 = arith.extui %sign3A_509 : i1 to i32
        %sign3A_511 = arith.subi %sign3A_507, %sign3A_510 : i32
        %sign3A_512 = arith.constant 0 : i32
        %sign3A_513 = arith.cmpi sgt, %jit3A_503, %sign3A_512 : i32
        %sign3A_514 = arith.extui %sign3A_513 : i1 to i32
        %sign3A_515 = arith.constant 0 : i32
        %sign3A_516 = arith.cmpi slt, %jit3A_503, %sign3A_515 : i32
        %sign3A_517 = arith.extui %sign3A_516 : i1 to i32
        %sign3A_518 = arith.subi %sign3A_514, %sign3A_517 : i32
        %ne3A_519 = arith.cmpi ne, %sign3A_511, %sign3A_518 : i32
        %rem3A_520 = arith.remsi %add3A_502, %jit3A_503 : i32
        %ne3A_521 = arith.constant 0 : i32
        %ne3A_522 = arith.cmpi ne, %rem3A_520, %ne3A_521 : i32
        %and3A_523 = arith.andi %ne3A_519, %ne3A_522 : i1
        %sub3A_524 = arith.constant 1 : i32
        %sub3A_525 = arith.subi %div3A_504, %sub3A_524 : i32
        %select_n3A_526 = arith.select %and3A_523, %sub3A_525, %div3A_504 : i32
        %jit3A_527 = arith.constant 8 : i32
        %eq3A_528 = arith.constant 0 : i32
        %eq3A_529 = arith.cmpi eq, %jit3A_527, %eq3A_528 : i32
        %jit3A_530 = arith.constant 1 : i32
        %select_n3A_531 = arith.select %eq3A_529, %jit3A_530, %jit3A_527 : i32
        %rem3A_532 = arith.remsi %add3A_502, %select_n3A_531 : i32
        %ne3A_533 = arith.constant 0 : i32
        %ne3A_534 = arith.cmpi ne, %rem3A_532, %ne3A_533 : i32
        %lt3A_535 = arith.constant 0 : i32
        %lt3A_536 = arith.cmpi slt, %rem3A_532, %lt3A_535 : i32
        %lt3A_537 = arith.constant 0 : i32
        %lt3A_538 = arith.cmpi slt, %select_n3A_531, %lt3A_537 : i32
        %ne3A_539 = arith.xori %lt3A_536, %lt3A_538 : i1
        %and3A_540 = arith.andi %ne3A_539, %ne3A_534 : i1
        %add3A_541 = arith.addi %rem3A_532, %select_n3A_531 : i32
        %select_n3A_542 = arith.select %and3A_540, %add3A_541, %rem3A_532 : i32
        %mul3A_543 = arith.constant 16 : i32
        %mul3A_544 = arith.muli %select_n3A_542, %mul3A_543 : i32
        %dma_wait3A_545 = arith.constant 3 : i32
        %dma_wait3A_546 = arith.constant 0 : i32
        %dma_wait3A_547 = arith.constant 0 : i32
        %dma_wait3A_548 = tpu.memref_slice %arg9[%dma_wait3A_545, %dma_wait3A_546, %dma_wait3A_547] : memref<4x16x128xf32, #tpu.memory_space<vmem>> -> memref<1x16x128xf32, #tpu.memory_space<vmem>>
        %dma_wait3A_549 = tpu.memref_squeeze %dma_wait3A_548 : memref<1x16x128xf32, #tpu.memory_space<vmem>> -> memref<16x128xf32, #tpu.memory_space<vmem>>
        %dma_wait3A_550 = tpu.memref_slice %arg7[%select_n3A_526, %mul3A_544] : memref<8x128xi32, #tpu.memory_space<vmem>> -> memref<1x16xi32, #tpu.memory_space<vmem>>
        %dma_wait3A_551 = tpu.memref_squeeze %dma_wait3A_550 : memref<1x16xi32, #tpu.memory_space<vmem>> -> memref<16xi32, #tpu.memory_space<vmem>>
        %dma_wait3A_552 = arith.constant 0 : i32
        %dma_wait3A_553 = arith.constant 0 : i32
        %dma_wait3A_554 = tpu.memref_slice %arg11[%dma_wait3A_552, %dma_wait3A_553] : memref<10000x128xf32, #tpu.memory_space<vmem_shared>> -> memref<10000x128xf32, #tpu.memory_space<vmem_shared>>
        tpu.wait_indirect_dma semaphore(%arg14 : memref<!tpu.dma_semaphore, #tpu.memory_space<semaphore_mem>>) src(%dma_wait3A_554 : memref<10000x128xf32, #tpu.memory_space<vmem_shared>>) dst(%dma_wait3A_549 : memref<16x128xf32, #tpu.memory_space<vmem>>)
        %jit3A_555 = arith.constant 8 : i32
        %div3A_556 = arith.divsi %add3A_502, %jit3A_555 : i32
        %sign3A_557 = arith.constant 0 : i32
        %sign3A_558 = arith.cmpi sgt, %add3A_502, %sign3A_557 : i32
        %sign3A_559 = arith.extui %sign3A_558 : i1 to i32
        %sign3A_560 = arith.constant 0 : i32
        %sign3A_561 = arith.cmpi slt, %add3A_502, %sign3A_560 : i32
        %sign3A_562 = arith.extui %sign3A_561 : i1 to i32
        %sign3A_563 = arith.subi %sign3A_559, %sign3A_562 : i32
        %sign3A_564 = arith.constant 0 : i32
        %sign3A_565 = arith.cmpi sgt, %jit3A_555, %sign3A_564 : i32
        %sign3A_566 = arith.extui %sign3A_565 : i1 to i32
        %sign3A_567 = arith.constant 0 : i32
        %sign3A_568 = arith.cmpi slt, %jit3A_555, %sign3A_567 : i32
        %sign3A_569 = arith.extui %sign3A_568 : i1 to i32
        %sign3A_570 = arith.subi %sign3A_566, %sign3A_569 : i32
        %ne3A_571 = arith.cmpi ne, %sign3A_563, %sign3A_570 : i32
        %rem3A_572 = arith.remsi %add3A_502, %jit3A_555 : i32
        %ne3A_573 = arith.constant 0 : i32
        %ne3A_574 = arith.cmpi ne, %rem3A_572, %ne3A_573 : i32
        %and3A_575 = arith.andi %ne3A_571, %ne3A_574 : i1
        %sub3A_576 = arith.constant 1 : i32
        %sub3A_577 = arith.subi %div3A_556, %sub3A_576 : i32
        %select_n3A_578 = arith.select %and3A_575, %sub3A_577, %div3A_556 : i32
        %jit3A_579 = arith.constant 8 : i32
        %eq3A_580 = arith.constant 0 : i32
        %eq3A_581 = arith.cmpi eq, %jit3A_579, %eq3A_580 : i32
        %jit3A_582 = arith.constant 1 : i32
        %select_n3A_583 = arith.select %eq3A_581, %jit3A_582, %jit3A_579 : i32
        %rem3A_584 = arith.remsi %add3A_502, %select_n3A_583 : i32
        %ne3A_585 = arith.constant 0 : i32
        %ne3A_586 = arith.cmpi ne, %rem3A_584, %ne3A_585 : i32
        %lt3A_587 = arith.constant 0 : i32
        %lt3A_588 = arith.cmpi slt, %rem3A_584, %lt3A_587 : i32
        %lt3A_589 = arith.constant 0 : i32
        %lt3A_590 = arith.cmpi slt, %select_n3A_583, %lt3A_589 : i32
        %ne3A_591 = arith.xori %lt3A_588, %lt3A_590 : i1
        %and3A_592 = arith.andi %ne3A_591, %ne3A_586 : i1
        %add3A_593 = arith.addi %rem3A_584, %select_n3A_583 : i32
        %select_n3A_594 = arith.select %and3A_592, %add3A_593, %rem3A_584 : i32
        %mul3A_595 = arith.constant 16 : i32
        %mul3A_596 = arith.muli %select_n3A_594, %mul3A_595 : i32
        %get3A_597 = arith.index_cast %select_n3A_578 : i32 to index
        %get3A_598 = arith.index_cast %mul3A_596 : i32 to index
        %get3A_599 = tpu.vector_load %arg8[%get3A_597, %get3A_598] {strides = array<i32>} : memref<8x128xi32, #tpu.memory_space<vmem>>, vector<1x16xi32>,
        %get3A_600 = vector.shape_cast %get3A_599 : vector<1x16xi32> to vector<16xi32>
        %sub3A_601 = vector.broadcast %mul3A_6 : i32 to vector<16xi32>
        %sub3A_602 = arith.subi %get3A_600, %sub3A_601 : vector<16xi32>
        %ge3A_603 = arith.constant 0 : i32
        %ge3A_604 = vector.broadcast %ge3A_603 : i32 to vector<16xi32>
        %ge3A_605 = arith.cmpi sge, %sub3A_602, %ge3A_604 : vector<16xi32>
        %lt3A_606 = arith.constant 5056 : i32
        %lt3A_607 = vector.broadcast %lt3A_606 : i32 to vector<16xi32>
        %lt3A_608 = arith.cmpi slt, %sub3A_602, %lt3A_607 : vector<16xi32>
        %and3A_609 = arith.andi %ge3A_605, %lt3A_608 : vector<16xi1>
        %jit3A_610 = arith.constant 5063 : i32
        %broadcast_in_dim3A_611 = vector.broadcast %jit3A_610 : i32 to vector<16xi32>
        %select_n3A_612 = arith.select %and3A_609, %sub3A_602, %broadcast_in_dim3A_611 : vector<16xi1>, vector<16xi32>
        %swap3A_613 = arith.constant 48 : index
        %swap3A_614 = tpu.vector_load %arg10[%swap3A_613] {strides = array<i32>} : memref<64xi32, #tpu.memory_space<vmem>>, vector<16xi32>,
        %swap3A_615 = vector.shape_cast %swap3A_614 : vector<16xi32> to vector<16xi32>
        %swap3A_616 = vector.shape_cast %select_n3A_612 : vector<16xi32> to vector<16xi32>
        tpu.vector_store %arg10[%swap3A_613], %swap3A_616 {strides = array<i32>} : memref<64xi32, #tpu.memory_space<vmem>>, vector<16xi32>,
        %dma_start3A_617 = arith.constant 3 : i32
        %dma_start3A_618 = arith.constant 0 : i32
        %dma_start3A_619 = arith.constant 0 : i32
        %dma_start3A_620 = tpu.memref_slice %arg9[%dma_start3A_617, %dma_start3A_618, %dma_start3A_619] : memref<4x16x128xf32, #tpu.memory_space<vmem>> -> memref<1x16x128xf32, #tpu.memory_space<vmem>>
        %dma_start3A_621 = tpu.memref_squeeze %dma_start3A_620 : memref<1x16x128xf32, #tpu.memory_space<vmem>> -> memref<16x128xf32, #tpu.memory_space<vmem>>
        %dma_start3A_622 = arith.constant 48 : i32
        %dma_start3A_623 = tpu.memref_slice %arg10[%dma_start3A_622] : memref<64xi32, #tpu.memory_space<vmem>> -> memref<16xi32, #tpu.memory_space<vmem>>
        %dma_start3A_624 = arith.constant 0 : i32
        %dma_start3A_625 = arith.constant 0 : i32
        %dma_start3A_626 = tpu.memref_slice %arg12[%dma_start3A_624, %dma_start3A_625] : memref<5064x128xf32, #tpu.memory_space<vmem_shared>> -> memref<5064x128xf32, #tpu.memory_space<vmem_shared>>
        tpu.enqueue_indirect_dma source(%dma_start3A_621 : memref<16x128xf32, #tpu.memory_space<vmem>>) target(%dma_start3A_626 : memref<5064x128xf32, #tpu.memory_space<vmem_shared>>) offsets(%dma_start3A_623 : memref<16xi32, #tpu.memory_space<vmem>>) semaphore(%arg18 : memref<!tpu.dma_semaphore, #tpu.memory_space<semaphore_mem>>) {add = true}
        %ge3A_627 = arith.constant 2 : i32
        %ge3A_628 = arith.cmpi sge, %add3A_502, %ge3A_627 : i32
        %convert_element_type3A_629 = arith.extui %ge3A_628 : i1 to i32
        %cond3A_630 = arith.constant 0 : i32
        %cond3A_631 = arith.cmpi ne, %convert_element_type3A_629, %cond3A_630 : i32
        scf.if %cond3A_631 {
          %dma_wait3A_639 = arith.constant 1 : i32
          %dma_wait3A_640 = arith.constant 0 : i32
          %dma_wait3A_641 = arith.constant 0 : i32
          %dma_wait3A_642 = tpu.memref_slice %arg9[%dma_wait3A_639, %dma_wait3A_640, %dma_wait3A_641] : memref<4x16x128xf32, #tpu.memory_space<vmem>> -> memref<1x16x128xf32, #tpu.memory_space<vmem>>
          %dma_wait3A_643 = tpu.memref_squeeze %dma_wait3A_642 : memref<1x16x128xf32, #tpu.memory_space<vmem>> -> memref<16x128xf32, #tpu.memory_space<vmem>>
          %dma_wait3A_644 = arith.constant 16 : i32
          %dma_wait3A_645 = tpu.memref_slice %arg10[%dma_wait3A_644] : memref<64xi32, #tpu.memory_space<vmem>> -> memref<16xi32, #tpu.memory_space<vmem>>
          %dma_wait3A_646 = arith.constant 0 : i32
          %dma_wait3A_647 = arith.constant 0 : i32
          %dma_wait3A_648 = tpu.memref_slice %arg12[%dma_wait3A_646, %dma_wait3A_647] : memref<5064x128xf32, #tpu.memory_space<vmem_shared>> -> memref<5064x128xf32, #tpu.memory_space<vmem_shared>>
          tpu.wait_indirect_dma semaphore(%arg16 : memref<!tpu.dma_semaphore, #tpu.memory_space<semaphore_mem>>) src(%dma_wait3A_643 : memref<16x128xf32, #tpu.memory_space<vmem>>) dst(%dma_wait3A_648 : memref<5064x128xf32, #tpu.memory_space<vmem_shared>>)
        } else {
        }
        %add3A_632 = arith.constant 2 : i32
        %add3A_633 = arith.addi %add3A_502, %add3A_632 : i32
        %lt3A_634 = arith.constant 64 : i32
        %lt3A_635 = arith.cmpi slt, %add3A_633, %lt3A_634 : i32
        %convert_element_type3A_636 = arith.extui %lt3A_635 : i1 to i32
        %cond3A_637 = arith.constant 0 : i32
        %cond3A_638 = arith.cmpi ne, %convert_element_type3A_636, %cond3A_637 : i32
        scf.if %cond3A_638 {
          %add3A_639 = arith.constant 2 : i32
          %add3A_640 = arith.addi %add3A_502, %add3A_639 : i32
          %jit3A_641 = arith.constant 8 : i32
          %div3A_642 = arith.divsi %add3A_640, %jit3A_641 : i32
          %sign3A_643 = arith.constant 0 : i32
          %sign3A_644 = arith.cmpi sgt, %add3A_640, %sign3A_643 : i32
          %sign3A_645 = arith.extui %sign3A_644 : i1 to i32
          %sign3A_646 = arith.constant 0 : i32
          %sign3A_647 = arith.cmpi slt, %add3A_640, %sign3A_646 : i32
          %sign3A_648 = arith.extui %sign3A_647 : i1 to i32
          %sign3A_649 = arith.subi %sign3A_645, %sign3A_648 : i32
          %sign3A_650 = arith.constant 0 : i32
          %sign3A_651 = arith.cmpi sgt, %jit3A_641, %sign3A_650 : i32
          %sign3A_652 = arith.extui %sign3A_651 : i1 to i32
          %sign3A_653 = arith.constant 0 : i32
          %sign3A_654 = arith.cmpi slt, %jit3A_641, %sign3A_653 : i32
          %sign3A_655 = arith.extui %sign3A_654 : i1 to i32
          %sign3A_656 = arith.subi %sign3A_652, %sign3A_655 : i32
          %ne3A_657 = arith.cmpi ne, %sign3A_649, %sign3A_656 : i32
          %rem3A_658 = arith.remsi %add3A_640, %jit3A_641 : i32
          %ne3A_659 = arith.constant 0 : i32
          %ne3A_660 = arith.cmpi ne, %rem3A_658, %ne3A_659 : i32
          %and3A_661 = arith.andi %ne3A_657, %ne3A_660 : i1
          %sub3A_662 = arith.constant 1 : i32
          %sub3A_663 = arith.subi %div3A_642, %sub3A_662 : i32
          %select_n3A_664 = arith.select %and3A_661, %sub3A_663, %div3A_642 : i32
          %jit3A_665 = arith.constant 8 : i32
          %eq3A_666 = arith.constant 0 : i32
          %eq3A_667 = arith.cmpi eq, %jit3A_665, %eq3A_666 : i32
          %jit3A_668 = arith.constant 1 : i32
          %select_n3A_669 = arith.select %eq3A_667, %jit3A_668, %jit3A_665 : i32
          %rem3A_670 = arith.remsi %add3A_640, %select_n3A_669 : i32
          %ne3A_671 = arith.constant 0 : i32
          %ne3A_672 = arith.cmpi ne, %rem3A_670, %ne3A_671 : i32
          %lt3A_673 = arith.constant 0 : i32
          %lt3A_674 = arith.cmpi slt, %rem3A_670, %lt3A_673 : i32
          %lt3A_675 = arith.constant 0 : i32
          %lt3A_676 = arith.cmpi slt, %select_n3A_669, %lt3A_675 : i32
          %ne3A_677 = arith.xori %lt3A_674, %lt3A_676 : i1
          %and3A_678 = arith.andi %ne3A_677, %ne3A_672 : i1
          %add3A_679 = arith.addi %rem3A_670, %select_n3A_669 : i32
          %select_n3A_680 = arith.select %and3A_678, %add3A_679, %rem3A_670 : i32
          %mul3A_681 = arith.constant 16 : i32
          %mul3A_682 = arith.muli %select_n3A_680, %mul3A_681 : i32
          %dma_start3A_683 = arith.constant 1 : i32
          %dma_start3A_684 = arith.constant 0 : i32
          %dma_start3A_685 = arith.constant 0 : i32
          %dma_start3A_686 = tpu.memref_slice %arg9[%dma_start3A_683, %dma_start3A_684, %dma_start3A_685] : memref<4x16x128xf32, #tpu.memory_space<vmem>> -> memref<1x16x128xf32, #tpu.memory_space<vmem>>
          %dma_start3A_687 = tpu.memref_squeeze %dma_start3A_686 : memref<1x16x128xf32, #tpu.memory_space<vmem>> -> memref<16x128xf32, #tpu.memory_space<vmem>>
          %dma_start3A_688 = tpu.memref_slice %arg7[%select_n3A_664, %mul3A_682] : memref<8x128xi32, #tpu.memory_space<vmem>> -> memref<1x16xi32, #tpu.memory_space<vmem>>
          %dma_start3A_689 = tpu.memref_squeeze %dma_start3A_688 : memref<1x16xi32, #tpu.memory_space<vmem>> -> memref<16xi32, #tpu.memory_space<vmem>>
          %dma_start3A_690 = arith.constant 0 : i32
          %dma_start3A_691 = arith.constant 0 : i32
          %dma_start3A_692 = tpu.memref_slice %arg11[%dma_start3A_690, %dma_start3A_691] : memref<10000x128xf32, #tpu.memory_space<vmem_shared>> -> memref<10000x128xf32, #tpu.memory_space<vmem_shared>>
          tpu.enqueue_indirect_dma source(%dma_start3A_692 : memref<10000x128xf32, #tpu.memory_space<vmem_shared>>) target(%dma_start3A_687 : memref<16x128xf32, #tpu.memory_space<vmem>>) offsets(%dma_start3A_689 : memref<16xi32, #tpu.memory_space<vmem>>) semaphore(%arg14 : memref<!tpu.dma_semaphore, #tpu.memory_space<semaphore_mem>>)
        } else {
        }
      }
      %scan3A_69 = arith.constant 16 : i32
      %dma_wait3A = arith.constant 2 : i32
      %dma_wait3A_70 = arith.constant 0 : i32
      %dma_wait3A_71 = arith.constant 0 : i32
      %dma_wait3A_72 = tpu.memref_slice %arg9[%dma_wait3A, %dma_wait3A_70, %dma_wait3A_71] : memref<4x16x128xf32, #tpu.memory_space<vmem>> -> memref<1x16x128xf32, #tpu.memory_space<vmem>>
      %dma_wait3A_73 = tpu.memref_squeeze %dma_wait3A_72 : memref<1x16x128xf32, #tpu.memory_space<vmem>> -> memref<16x128xf32, #tpu.memory_space<vmem>>
      %dma_wait3A_74 = arith.constant 32 : i32
      %dma_wait3A_75 = tpu.memref_slice %arg10[%dma_wait3A_74] : memref<64xi32, #tpu.memory_space<vmem>> -> memref<16xi32, #tpu.memory_space<vmem>>
      %dma_wait3A_76 = arith.constant 0 : i32
      %dma_wait3A_77 = arith.constant 0 : i32
      %dma_wait3A_78 = tpu.memref_slice %arg12[%dma_wait3A_76, %dma_wait3A_77] : memref<5064x128xf32, #tpu.memory_space<vmem_shared>> -> memref<5064x128xf32, #tpu.memory_space<vmem_shared>>
      tpu.wait_indirect_dma semaphore(%arg17 : memref<!tpu.dma_semaphore, #tpu.memory_space<semaphore_mem>>) src(%dma_wait3A_73 : memref<16x128xf32, #tpu.memory_space<vmem>>) dst(%dma_wait3A_78 : memref<5064x128xf32, #tpu.memory_space<vmem_shared>>)
      %dma_wait3A_79 = arith.constant 3 : i32
      %dma_wait3A_80 = arith.constant 0 : i32
      %dma_wait3A_81 = arith.constant 0 : i32
      %dma_wait3A_82 = tpu.memref_slice %arg9[%dma_wait3A_79, %dma_wait3A_80, %dma_wait3A_81] : memref<4x16x128xf32, #tpu.memory_space<vmem>> -> memref<1x16x128xf32, #tpu.memory_space<vmem>>
      %dma_wait3A_83 = tpu.memref_squeeze %dma_wait3A_82 : memref<1x16x128xf32, #tpu.memory_space<vmem>> -> memref<16x128xf32, #tpu.memory_space<vmem>>
      %dma_wait3A_84 = arith.constant 48 : i32
      %dma_wait3A_85 = tpu.memref_slice %arg10[%dma_wait3A_84] : memref<64xi32, #tpu.memory_space<vmem>> -> memref<16xi32, #tpu.memory_space<vmem>>
      %dma_wait3A_86 = arith.constant 0 : i32
      %dma_wait3A_87 = arith.constant 0 : i32
      %dma_wait3A_88 = tpu.memref_slice %arg12[%dma_wait3A_86, %dma_wait3A_87] : memref<5064x128xf32, #tpu.memory_space<vmem_shared>> -> memref<5064x128xf32, #tpu.memory_space<vmem_shared>>
      tpu.wait_indirect_dma semaphore(%arg18 : memref<!tpu.dma_semaphore, #tpu.memory_space<semaphore_mem>>) src(%dma_wait3A_83 : memref<16x128xf32, #tpu.memory_space<vmem>>) dst(%dma_wait3A_88 : memref<5064x128xf32, #tpu.memory_space<vmem_shared>>)
    }
    %scan3A_13 = arith.constant 20 : i32
    %barrier3A_14 = arith.constant 0 : index
    tpu.barrier barrier_id(%barrier3A_14)
    %lt3A_15 = arith.constant 15 : i32
    %lt3A_16 = arith.cmpi slt, %arg1, %lt3A_15 : i32
    %convert_element_type3A_17 = arith.extui %lt3A_16 : i1 to i32
    %cond3A_18 = arith.constant 0 : i32
    %cond3A_19 = arith.cmpi ne, %convert_element_type3A_17, %cond3A_18 : i32
    scf.if %cond3A_19 {
      %mul3A_35 = arith.constant 320 : i32
      %mul3A_36 = arith.muli %arg1, %mul3A_35 : i32
      %mul3A_37 = arith.constant 5056 : i32
      %mul3A_38 = arith.muli %arg0, %mul3A_37 : i32
      %mul3A_39 = arith.constant 320 : i32
      %mul3A_40 = arith.muli %arg1, %mul3A_39 : i32
      %add3A = arith.addi %mul3A_38, %mul3A_40 : i32
      "tpu.region"() ({
        %run_scoped3A = tpu.sem_alloc : memref<!tpu.dma_semaphore, #tpu.memory_space<semaphore_mem>>
        %dma_start3A = arith.constant 0 : i32
        %dma_start3A_41 = tpu.memref_slice %arg6[%add3A, %dma_start3A] : memref<10000x128xf32, #tpu.memory_space<hbm>> -> memref<320x128xf32, #tpu.memory_space<hbm>>
        %dma_start3A_42 = arith.constant 0 : i32
        %dma_start3A_43 = tpu.memref_slice %arg12[%mul3A_36, %dma_start3A_42] : memref<5064x128xf32, #tpu.memory_space<vmem_shared>> -> memref<320x128xf32, #tpu.memory_space<vmem_shared>>
        tpu.enqueue_dma source(%dma_start3A_43 : memref<320x128xf32, #tpu.memory_space<vmem_shared>>) target(%dma_start3A_41 : memref<320x128xf32, #tpu.memory_space<hbm>>) target_semaphore(%run_scoped3A : memref<!tpu.dma_semaphore, #tpu.memory_space<semaphore_mem>>)
        %dma_wait3A = arith.constant 0 : i32
        %dma_wait3A_44 = tpu.memref_slice %arg6[%add3A, %dma_wait3A] : memref<10000x128xf32, #tpu.memory_space<hbm>> -> memref<320x128xf32, #tpu.memory_space<hbm>>
        %dma_wait3A_45 = arith.constant 0 : i32
        %dma_wait3A_46 = tpu.memref_slice %arg12[%mul3A_36, %dma_wait3A_45] : memref<5064x128xf32, #tpu.memory_space<vmem_shared>> -> memref<320x128xf32, #tpu.memory_space<vmem_shared>>
        tpu.wait_dma2 semaphore(%run_scoped3A : memref<!tpu.dma_semaphore, #tpu.memory_space<semaphore_mem>>) src(%dma_wait3A_46 : memref<320x128xf32, #tpu.memory_space<vmem_shared>>) dst(%dma_wait3A_44 : memref<320x128xf32, #tpu.memory_space<hbm>>)
        tpu.yield
      }) : () -> ()
    } else {
    }
    %eq3A_20 = arith.constant 15 : i32
    %eq3A_21 = arith.cmpi eq, %arg1, %eq3A_20 : i32
    %eq3A_22 = arith.constant 0 : i32
    %eq3A_23 = arith.cmpi eq, %arg0, %eq3A_22 : i32
    %and3A = arith.andi %eq3A_21, %eq3A_23 : i1
    %convert_element_type3A_24 = arith.extui %and3A : i1 to i32
    %cond3A_25 = arith.constant 0 : i32
    %cond3A_26 = arith.cmpi ne, %convert_element_type3A_24, %cond3A_25 : i32
    scf.if %cond3A_26 {
      "tpu.region"() ({
        %run_scoped3A = tpu.sem_alloc : memref<!tpu.dma_semaphore, #tpu.memory_space<semaphore_mem>>
        %dma_start3A = arith.constant 4800 : i32
        %dma_start3A_35 = arith.constant 0 : i32
        %dma_start3A_36 = tpu.memref_slice %arg6[%dma_start3A, %dma_start3A_35] : memref<10000x128xf32, #tpu.memory_space<hbm>> -> memref<256x128xf32, #tpu.memory_space<hbm>>
        %dma_start3A_37 = arith.constant 4800 : i32
        %dma_start3A_38 = arith.constant 0 : i32
        %dma_start3A_39 = tpu.memref_slice %arg12[%dma_start3A_37, %dma_start3A_38] : memref<5064x128xf32, #tpu.memory_space<vmem_shared>> -> memref<256x128xf32, #tpu.memory_space<vmem_shared>>
        tpu.enqueue_dma source(%dma_start3A_39 : memref<256x128xf32, #tpu.memory_space<vmem_shared>>) target(%dma_start3A_36 : memref<256x128xf32, #tpu.memory_space<hbm>>) target_semaphore(%run_scoped3A : memref<!tpu.dma_semaphore, #tpu.memory_space<semaphore_mem>>)
        %dma_wait3A = arith.constant 4800 : i32
        %dma_wait3A_40 = arith.constant 0 : i32
        %dma_wait3A_41 = tpu.memref_slice %arg6[%dma_wait3A, %dma_wait3A_40] : memref<10000x128xf32, #tpu.memory_space<hbm>> -> memref<256x128xf32, #tpu.memory_space<hbm>>
        %dma_wait3A_42 = arith.constant 4800 : i32
        %dma_wait3A_43 = arith.constant 0 : i32
        %dma_wait3A_44 = tpu.memref_slice %arg12[%dma_wait3A_42, %dma_wait3A_43] : memref<5064x128xf32, #tpu.memory_space<vmem_shared>> -> memref<256x128xf32, #tpu.memory_space<vmem_shared>>
        tpu.wait_dma2 semaphore(%run_scoped3A : memref<!tpu.dma_semaphore, #tpu.memory_space<semaphore_mem>>) src(%dma_wait3A_44 : memref<256x128xf32, #tpu.memory_space<vmem_shared>>) dst(%dma_wait3A_41 : memref<256x128xf32, #tpu.memory_space<hbm>>)
        tpu.yield
      }) : () -> ()
    } else {
    }
    %eq3A_27 = arith.constant 15 : i32
    %eq3A_28 = arith.cmpi eq, %arg1, %eq3A_27 : i32
    %eq3A_29 = arith.constant 1 : i32
    %eq3A_30 = arith.cmpi eq, %arg0, %eq3A_29 : i32
    %and3A_31 = arith.andi %eq3A_28, %eq3A_30 : i1
    %convert_element_type3A_32 = arith.extui %and3A_31 : i1 to i32
    %cond3A_33 = arith.constant 0 : i32
    %cond3A_34 = arith.cmpi ne, %convert_element_type3A_32, %cond3A_33 : i32
    scf.if %cond3A_34 {
      "tpu.region"() ({
        %run_scoped3A = tpu.sem_alloc : memref<!tpu.dma_semaphore, #tpu.memory_space<semaphore_mem>>
        %dma_start3A = arith.constant 9856 : i32
        %dma_start3A_35 = arith.constant 0 : i32
        %dma_start3A_36 = tpu.memref_slice %arg6[%dma_start3A, %dma_start3A_35] : memref<10000x128xf32, #tpu.memory_space<hbm>> -> memref<144x128xf32, #tpu.memory_space<hbm>>
        %dma_start3A_37 = arith.constant 4800 : i32
        %dma_start3A_38 = arith.constant 0 : i32
        %dma_start3A_39 = tpu.memref_slice %arg12[%dma_start3A_37, %dma_start3A_38] : memref<5064x128xf32, #tpu.memory_space<vmem_shared>> -> memref<144x128xf32, #tpu.memory_space<vmem_shared>>
        tpu.enqueue_dma source(%dma_start3A_39 : memref<144x128xf32, #tpu.memory_space<vmem_shared>>) target(%dma_start3A_36 : memref<144x128xf32, #tpu.memory_space<hbm>>) target_semaphore(%run_scoped3A : memref<!tpu.dma_semaphore, #tpu.memory_space<semaphore_mem>>)
        %dma_wait3A = arith.constant 9856 : i32
        %dma_wait3A_40 = arith.constant 0 : i32
        %dma_wait3A_41 = tpu.memref_slice %arg6[%dma_wait3A, %dma_wait3A_40] : memref<10000x128xf32, #tpu.memory_space<hbm>> -> memref<144x128xf32, #tpu.memory_space<hbm>>
        %dma_wait3A_42 = arith.constant 4800 : i32
        %dma_wait3A_43 = arith.constant 0 : i32
        %dma_wait3A_44 = tpu.memref_slice %arg12[%dma_wait3A_42, %dma_wait3A_43] : memref<5064x128xf32, #tpu.memory_space<vmem_shared>> -> memref<144x128xf32, #tpu.memory_space<vmem_shared>>
        tpu.wait_dma2 semaphore(%run_scoped3A : memref<!tpu.dma_semaphore, #tpu.memory_space<semaphore_mem>>) src(%dma_wait3A_44 : memref<144x128xf32, #tpu.memory_space<vmem_shared>>) dst(%dma_wait3A_41 : memref<144x128xf32, #tpu.memory_space<hbm>>)
        tpu.yield
      }) : () -> ()
    } else {
    }
    return
  }
}

</mosaic_0001>

<sc_bundles>
// kernel: kernel.3.cloned.1.call-start
scs
__scs_entry_jumppad:
0x0: {  	(pc) =	sbr.rel $0x88, $3  }
0x1: {  	(tag) =	ssettag $0x0;
	lr =	simm.s32 $0x1  }
0x2: {  	[smem:$0x3F9F] =	sst lr;
	_ =	strace $0xD0000000  }
0x3: {  	_ = 	snop  }
0x4: {  	_ = 	snop  }
0x5: {  	_ = 	snop  }
0x6: {  	_ = 	snop  }
0x7: {  	_ = 	snop  }
__scs_overlays_trampoline_lowered:
0x8: {  	[smem:$0x3FAE] =	sst s0  }
0x9: {  	[smem:$0x3FAF] =	sst s1  }
0xa: {  	[smem:$0x3FB0] =	sst s2  }
0xb: {  	[smem:$0x3FB1] =	sst s3  }
0xc: {  	[smem:$0x3FB2] =	sst s4  }
0xd: {  	[smem:$0x3FB3] =	sst s5  }
0xe: {  	[smem:$0x3FB4] =	sst s6  }
0xf: {  	[smem:$0x3FB5] =	sst s7  }
0x10: {  	[smem:$0x3FB6] =	sst s8  }
0x11: {  	[smem:$0x3FB7] =	sst s9;
	s0 =	simm.s32 @!p0 $0x0  }
0x12: {  	s1 =	sld [smem:$0x3F9D];
	s0 =	simm.s32 @p0 $0x1  }
0x13: {  	[smem:$0x3FB8] =	sst s0;
	s0 =	simm.s32 @!p1 $0x0  }
0x14: {  	s2 =	sld [smem:$0x3F9C];
	s0 =	simm.s32 @p1 $0x1  }
0x15: {  	[smem:$0x3FB9] =	sst s0;
	s0 =	simm.s32 @!p2 $0x0  }
0x16: {  	s3 =	sld [smem:$0x3FDB];
	s0 =	simm.s32 @p2 $0x1  }
0x17: {  	s4 =	simm.s32 $0x1BF5;
	[smem:$0x3FBB] =	sst s0  }
0x18: {  	s0 =	sld [smem:$0x3F9E];
	_ =	swait.ge [sflag:s4], $0x0  }
0x19: {  	s7 =	sld [smem:$0x3F9F]  }
0x1a: {  	s8 =	sadd.s32 $0xFFFFE003, lr  }
0x1b: {  	s9 =	sadd.s32 $0xFFFFFEF7, lr;
	s5 =	simm.s32 $0xFFFFFFFF;
	p2 =	slt.u32 s8, $0xFFFFF086  }
0x1c: {  	p1 =	slt.u32 s9, $0xF7A;
	s5 =	simm.s32 @!p2 $0x0  }
0x1d: {  	s5 =	simm.s32 @p1 $0x1;
	p0 =	seq.s32 s7, s2  }
0x1e: {  	s7 =	smul.u32 @!p0 $0xF7A, s2;
	p2 =	seq.s32 @!p0 s5, $0x0  }
0x1f: {  	s9 =	smul.u32 $0xF7A, s1;
	s8 =	simm.s32 @!p0 $0x1BF5;
	p2 =	por !p2, p0  }
0x20: {  	[sflag:s8] =	ssyncset.s32 @!p0 $0xFFFFF086;
	s6 =	sadd.s32 @!p0 s3, s7;
	s7 =	simm.s32 @!p0 $0x108  }
0x21: {  	s3 =	sadd.s32 s3, s9;
	s6 =	sadd.s32 @!p0 $0x88, s6;
	s7 =	simm.s32 @p2 $0x1082  }
0x22: {  	[simem:s7], [sflag:s8] =	dma.local @!p0 [hbm:s6], $0xF7A  }
0x23: {  	s9 =	sor.u32 $0xD0000000, s2;
	s6 =	simm.s32 $0x108;
	_ =	swait.ge @!p0 [sflag:s8], $0x0  }
0x24: {  	s3 =	sadd.s32 $0x88, s3;
	s6 =	simm.s32 @!p1 $0x1082;
	[sflag:s4] =	ssyncset.s32 $0xFFFFF086  }
0x25: {  	[simem:s6], [sflag:s4] =	dma.local [hbm:s3], $0xF7A  }
0x26: {  	[smem:$0x3F9F] =	sst s1;
	(tag) =	ssettag s2;
	_ =	strace s9  }
0x27: {  	s1 =	sld [smem:$0x3FAF]  }
0x28: {  	s2 =	sld [smem:$0x3FB0]  }
0x29: {  	s4 =	sld [smem:$0x3FB2]  }
0x2a: {  	p0 =	seq.s32 s5, $0x0;
	s5 =	sld [smem:$0x3FB3]  }
0x2b: {  	s6 =	sld [smem:$0x3FB4]  }
0x2c: {  	s7 =	sld [smem:$0x3FB5]  }
0x2d: {  	s3 =	simm.s32 $0x108;
	s8 =	sld [smem:$0x3FB6]  }
0x2e: {  	s3 =	simm.s32 @!p0 $0x1082;
	s9 =	sld [smem:$0x3FB7]  }
0x2f: {  	lr =	sadd.s32 s0, s3;
	s0 =	sld [smem:$0x3FAE]  }
0x30: {  	s3 =	sld [smem:$0x3FB1]  }
0x31: {  	[smem:$0x3FBA] =	sst s10  }
0x32: {  	s10 =	sld [smem:$0x3FB8];
	_ =	sdelay $0x3  }
0x33: {  	p0 =	seq.s32 s10, $0x1;
	s10 =	sld [smem:$0x3FBA];
	_ =	sdelay $0x3  }
0x34: {  	[smem:$0x3FBA] =	sst s10  }
0x35: {  	s10 =	sld [smem:$0x3FB9];
	_ =	sdelay $0x3  }
0x36: {  	p1 =	seq.s32 s10, $0x1;
	s10 =	sld [smem:$0x3FBA];
	_ =	sdelay $0x3  }
0x37: {  	[smem:$0x3FBA] =	sst s10  }
0x38: {  	s10 =	sld [smem:$0x3FBB]  }
0x39: {  	_ = 	snop;
	(pc) =	sbr.ind lr, $3  }
0x3a: {  	_ = 	snop  }
0x3b: {  	_ = 	snop  }
0x3c: {  	p2 =	seq.s32 s10, $0x1;
	s10 =	sld [smem:$0x3FBA]  }
0x3d: {  	_ =	shalt  }
0x3e: {  	_ =	shalt  }
0x3f: {  	_ =	shalt  }
0x40: {  	_ =	shalt  }
0x41: {  	_ =	shalt  }
0x42: {  	_ =	shalt  }
0x43: {  	_ =	shalt  }
0x44: {  	_ =	shalt  }
0x45: {  	_ =	shalt  }
0x46: {  	_ =	shalt  }
0x47: {  	_ =	shalt  }
0x48: {  	_ =	shalt  }
0x49: {  	_ =	shalt  }
0x4a: {  	_ =	shalt  }
0x4b: {  	_ =	shalt  }
0x4c: {  	_ =	shalt  }
0x4d: {  	_ =	shalt  }
0x4e: {  	_ =	shalt  }
0x4f: {  	_ =	shalt  }
0x50: {  	_ =	shalt  }
0x51: {  	_ =	shalt  }
0x52: {  	_ =	shalt  }
0x53: {  	_ =	shalt  }
0x54: {  	_ =	shalt  }
0x55: {  	_ =	shalt  }
0x56: {  	_ =	shalt  }
0x57: {  	_ =	shalt  }
0x58: {  	_ =	shalt  }
0x59: {  	_ =	shalt  }
0x5a: {  	_ =	shalt  }
0x5b: {  	_ =	shalt  }
0x5c: {  	_ =	shalt  }
0x5d: {  	_ =	shalt  }
0x5e: {  	_ =	shalt  }
0x5f: {  	_ =	shalt  }
0x60: {  	_ =	shalt  }
0x61: {  	_ =	shalt  }
0x62: {  	_ =	shalt  }
0x63: {  	_ =	shalt  }
0x64: {  	_ =	shalt  }
0x65: {  	_ =	shalt  }
0x66: {  	_ =	shalt  }
0x67: {  	_ =	shalt  }
0x68: {  	_ =	shalt  }
0x69: {  	_ =	shalt  }
0x6a: {  	_ =	shalt  }
0x6b: {  	_ =	shalt  }
0x6c: {  	_ =	shalt  }
0x6d: {  	_ =	shalt  }
0x6e: {  	_ =	shalt  }
0x6f: {  	_ =	shalt  }
0x70: {  	_ =	shalt  }
0x71: {  	_ =	shalt  }
0x72: {  	_ =	shalt  }
0x73: {  	_ =	shalt  }
0x74: {  	_ =	shalt  }
0x75: {  	_ =	shalt  }
0x76: {  	_ =	shalt  }
0x77: {  	_ =	shalt  }
0x78: {  	_ =	shalt  }
0x79: {  	_ =	shalt  }
0x7a: {  	_ =	shalt  }
0x7b: {  	_ =	shalt  }
0x7c: {  	_ =	shalt  }
0x7d: {  	_ =	shalt  }
0x7e: {  	_ =	shalt  }
0x7f: {  	_ =	shalt  }
0x80: {  	_ =	shalt  }
0x81: {  	_ =	shalt  }
0x82: {  	_ =	shalt  }
0x83: {  	_ =	shalt  }
0x84: {  	_ =	shalt  }
0x85: {  	_ =	shalt  }
0x86: {  	_ =	shalt  }
0x87: {  	_ =	shalt  }
.Lfunc_end0:
.L_simem_size_0:
called_computation_lowered:
.L_overlay_start_0:
0x88: {  	s2 =	sld [smem:$0x3FD9]  }
0x89: {  	s3 =	sld [smem:$0x3FFE];
	_ =	sdelay $0x1  }
0x8a: {  	s1 =	srdreg.scid  }
0x8b: {  	s0 =	sand.u32 $0x1, s1  }
0x8c: {  	s17 =	sshll.u32 s0, $0xA;
	s2 =	sadd.s32 s3, s2  }
0x8d: {  	s2 =	sadd.s32 s2, s17  }
0x8e: {  	[smem:$0x3FC6] =	sst s2  }
0x8f: {  	_ = 	snop  }
0x90: {  	s2 =	sld [smem:$0x3FC9]  }
0x91: {  	s18 =	sld [smem:$0x3FD0];
	(tm) =	ssettm $0x1  }
0x92: {  	s4 =	sld [smem:$0x3FFB];
	_ =	sdelay $0x3  }
0x93: {  	_ =	strace s4  }
0x94: {  	s4 =	sld [smem:$0x3FFC];
	_ =	sdelay $0x3  }
0x95: {  	_ =	strace s4  }
0x96: {  	s4 =	sld [smem:$0x3FFD];
	_ =	sdelay $0x3  }
0x97: {  	_ =	strace s4  }
0x98: {  	_ =	strace $0x8FFFFFFF  }
0x99: {  	s19 =	sld [smem:$0x3FDB];
	_ =	sdelay $0x1  }
0x9a: {  	s5 =	simm.s32 $_scs_section_size  }
0x9b: {  	s6 =	simm.s32 $_size__tile_overlayer_lowered;
	s7 =	simm.s32 $_tile_overlayer_lowered  }
0x9c: {  	s22 =	simm.s32 $0x1BFF;
	s21 =	sshll.u32 s7, $0x1;
	s4 =	sadd.s32 s5, s19  }
0x9d: {  	s8 =	simm.s32 $0x0;
	s20 =	sshll.u32 s6, $0x1;
	s6 =	sadd.s32 s21, s4  }
0x9e: {  	[timem:s8], [sflag:s22] =	dma.local [hbm:s6], s20  }
0x9f: {  	_ =	swait.ge [sflag:s22], s20  }
0xa0: {  	s5 =	ssub.s32 $0x0, s20;
	[sflag:s22] =	ssyncset.done $0x0  }
0xa1: {  	[sflag:s22] =	ssyncadd.s32 s5;
	_ =	sdelay $0x1  }
0xa2: {  	s23 =	simm.s32 $0x1B8B  }
0xa3: {  	_ =	swait.ge [sflag:s23], $0x1  }
0xa4: {  	[sflag:s23] =	ssyncset.done $0x0  }
0xa5: {  	s25 =	simm.s32 $0x1B8E;
	s24 =	sld [smem:$0x3FFE];
	[sflag:s23] =	ssyncadd.s32 $0xFFFFFFFF  }
0xa6: {  	s26 =	simm.s32 $execute0_lowered;
	[smem:$0x3FD2] =	sst s25  }
0xa7: {  	s6 =	sshll.u32 s26, $0x1;
	_ =	strace $0x80000046;
	[dreg:$0x1] =	wrdreg $0xFFFFFFFF  }
0xa8: {  	s28 =	simm.s32 $_size_execute0_lowered;
	s4 =	sadd.s32 s4, s6;
	[dreg:$0x0] =	wrdreg $0x0  }
0xa9: {  	s6 =	sshll.u32 s28, $0x1;
	[dreg:$0x2] =	wrdreg s4  }
0xaa: {  	[dreg:$0x3] =	wrdreg s6  }
0xab: {  	[dreg:$0x4] =	wrdreg $0xC0  }
0xac: {  	_ =	task [dreg:s8], $0x5FFFF  }
0xad: {  	[dreg:$0x1] =	wrdreg $0xFFFFFFFF  }
0xae: {  	[dreg:$0x0] =	wrdreg $0x60  }
0xaf: {  	[dreg:$0x2] =	wrdreg s2  }
0xb0: {  	[dreg:$0x3] =	wrdreg s24  }
0xb1: {  	[dreg:$0x4] =	wrdreg s18  }
0xb2: {  	[dreg:$0x5] =	wrdreg $0x28800  }
0xb3: {  	[dreg:$0x6] =	wrdreg $0x161000  }
0xb4: {  	[dreg:$0x7] =	wrdreg $0x9  }
0xb5: {  	_ =	task.clear_ibuf [dreg:s8], $0x8FFFF;
	_ =	strace $0x90000046  }
0xb6: {  	s29 =	simm.s32 $0x9;
	_ =	strace $0x80000048  }
0xb7: {  	_ =	swait.ge [sflag:s29], $0x1  }
0xb8: {  	[sflag:s29] =	ssyncadd.s32 $0xFFFFFFFF  }
0xb9: {  	_ =	strace $0x90000048  }
0xba: {  	_ =	sfence  }
0xbb: {  	s30 =	sld [smem:$0x0];
	_ =	sdelay $0x2  }
0xbc: {  	s31 =	sshll.u32 s1, $0xD;
	s1 =	sshrl.u32 s1, $0x2  }
0xbd: {  	s3 =	sand.u32 $0x4000, s31;
	s1 =	sadd.s32 s1, s30  }
0xbe: {  	s0 =	sor.u32 s3, s0;
	s1 =	sshll.u32 s1, $0x11  }
0xbf: {  	s0 =	sor.u32 s1, s0  }
0xc0: {  	s0 =	sadd.s32 $0x8F2B, s0  }
0xc1: {  	[sflag:s0] =	ssyncadd.remote.s32 $0x1  }
0xc2: {  	_ =	sfence.sel $0xFFFF  }
0xc3: {  	[dreg:$0x0] =	wrdreg $0xFFFFFFFF;
	(pc) =	sbr.abs _section_cstart, $3  }
0xc4: {  	[dreg:$0x1] =	wrdreg $0xFFFFFFFF  }
0xc5: {  	_ =	task.clear_ibuf [dreg:s8], $0x2FFFF;
	_ =	strace $0x9FFFFFFF  }
0xc6: {  	(tm) =	ssettm $0x7FFFFFFF  }
0xc7: {  	_ =	shalt  }
tec
execute0_lowered:
.L_overlay_start_1:
0x0: {  	(tag) =	ssettag $0x1  }
0x1: {  	s0 =	rddreg [dreg:$0x0]  }
0x2: {  	s1 =	rddreg [dreg:$0x1]  }
0x3: {  	s3 =	rddreg [dreg:$0x2]  }
0x4: {  	s2 =	rddreg [dreg:$0x3]  }
0x5: {  	s4 =	rddreg [dreg:$0x4];
	s16 =	simm.s32 $0x0;
	s5 =	stileid.u32  }
0x6: {  	s6 =	srdreg.scid;
	s28 =	simm.s32 $0x1;
	s7 =	smul.u32 $0x1400, s5  }
0x7: {  	s29 =	simm.s32 $0x2800;
	s30 =	simm.s32 $0x1800;
	s9 =	smul.u32 $0x4F000, s5  }
0x8: {  	s31 =	simm.s32 $0x2;
	[smem:$0x7FF] =	sst s16;
	s11 =	smul.u32 $0x2780, s5  }
0x9: {  	s8 =	sand.u32 $0x1, s6;
	s6 =	sadd.s32 $0xA000, s1;
	s13 =	smul.u32 $0x28000, s5  }
0xa: {  	s21 =	smul.u32 $0x140, s5;
	s23 =	sadd.s32 $0x26C00, s1;
	s24 =	sadd.s32 $0x12C00, s3  }
0xb: {  	s25 =	sadd.s32 $0x26800, s3;
	_ =	strace $0x80000047;
	[dreg:$0xb] =	wrdreg s23  }
0xc: {  	p0 =	seq.s32 s5, $0xF;
	s10 =	ssub.s32 $0x2, s8;
	[dreg:$0xd] =	wrdreg s24  }
0xd: {  	s15 =	smul.u32 $0x13C0, s8;
	p2 =	seq.s32 s8, $0x1;
	[dreg:$0xe] =	wrdreg s25  }
0xe: {  	p1 =	sne.s32 @p0 s8, $0x0;
	s23 =	simm.s32 $0x400;
	s24 =	simm.s32 $0x10  }
0xf: {  	s25 =	simm.s32 $0x800;
	s8 =	simm.s32 $0x3;
	s7 =	sadd.s32 s7, s1  }
0x10: {  	s12 =	sshrl.u32 s10, $0x1;
	s9 =	sshrl.u32 s9, $0x2;
	s20 =	sshrl.u32 s13, $0x2  }
0x11: {  	s11 =	sadd.s32 s0, s11;
	s0 =	sadd.s32 $0x25080, s0;
	p1 =	por p1, !p0  }
0x12: {  	p2 =	por !p2, !p0;
	s13 =	simm.s32 $0x5;
	s14 =	ssub.s32 s10, s12  }
0x13: {  	s9 =	sadd.s32 s9, s2;
	[dreg:$0x7] =	wrdreg s11;
	s11 =	sadd.s32 s20, s4  }
0x14: {  	s7 =	sadd.s32 $0x14000, s7;
	[dreg:$0x9] =	wrdreg s0;
	s22 =	sadd.s32 s21, s15  }
0x15: {  	s10 =	sadd.s32 $0x96000, s4;
	s12 =	smul.u32 $0x14, s5;
	[dreg:$0x8] =	wrdreg s7  }
0x16: {  	s7 =	sadd.s32 $0x128400, s2;
	s0 =	sshll.u32 s22, $0x4;
	s26 =	smax.u32 s14, $0x1  }
0x17: {  	[dreg:$0xa] =	wrdreg s10;
	s18 =	sshrl.u32 @!p0 s11, $0x3;
	s22 =	simm.s32 $0x7  }
0x18: {  	s11 =	simm.s32 $0x4;
	s14 =	simm.s32 $0x6;
	[dreg:$0xf] =	wrdreg s26  }
0x19: {  	s0 =	sadd.s32 s3, s0;
	s3 =	sshrl.u32 @p0 s10, $0x3;
	[dreg:$0x14] =	wrdreg s18  }
.Ltmp0:
0x1a: {  	[dreg:$0xc] =	wrdreg s0;
	s0 =	sshrl.u32 @p0 s7, $0x3;
	(pc) =	sbr.rel .LBB2_1-.Ltmp0, $4  }
0x1b: {  	s26 =	simm.s32 $0x1000;
	[dreg:$0x10] =	wrdreg s0;
	s0 =	sshll.u32 @!p0 s5, $0x6  }
0x1c: {  	[dreg:$0x11] =	wrdreg s3;
	s17 =	sor.u32 @!p0 $0x1C07, s0;
	s0 =	sshrl.u32 @!p0 s9, $0x3  }
0x1d: {  	s3 =	simm.s32 $0x2000;
	s7 =	simm.s32 $0x2820;
	[dreg:$0x13] =	wrdreg s0  }
0x1e: {  	v0 =	vmov s15;
	s9 =	simm.s32 $0x2830;
	s0 =	simm.s32 $0x2810;
	[dreg:$0x12] =	wrdreg s17  }
.LBB2_6:
0x1f: {  	[bflag:$0x0] =	sbarrier.arrive $0xFFFF  }
0x20: {  	s15 =	rddreg [dreg:$0xa]  }
0x21: {  	s10 =	simm.s32 @!p1 $0x1FC7;
	s16 =	rddreg [dreg:$0xd];
	s5 =	sshrl.u32 @!p1 s15, $0x3  }
0x22: {  	[hbm:s16], [sflag:s10] =	dma.local @!p1 [spmem:s5], $0x1000  }
0x23: {  	s5 =	simm.s32 @!p1 $0x7  }
0x24: {  	_ =	swait.ge @!p1 [sflag:s5], $0x1000  }
0x25: {  	s10 =	simm.s32 @!p2 $0x1FC7;
	[sflag:s5] =	ssyncset.done @!p1 $0x0  }
0x26: {  	[sflag:s5] =	ssyncadd.s32 @!p1 $0xFFFFF000;
	s5 =	sshrl.u32 @!p2 s15, $0x3;
	s15 =	rddreg [dreg:$0xe]  }
0x27: {  	[hbm:s15], [sflag:s10] =	dma.local @!p2 [spmem:s5], $0x900  }
0x28: {  	s5 =	simm.s32 @!p2 $0x7  }
0x29: {  	_ =	swait.ge @!p2 [sflag:s5], $0x900  }
0x2a: {  	s17 =	rddreg [dreg:$0x12]  }
0x2b: {  	[sflag:s5] =	ssyncset.done @!p2 $0x0;
	s18 =	rddreg [dreg:$0x14]  }
0x2c: {  	[sflag:s5] =	ssyncadd.s32 @!p2 $0xFFFFF700;
	s5 =	rddreg [dreg:$0xc]  }
0x2d: {  	[hbm:s5], [sflag:s17] =	dma.local @!p0 [spmem:s18], $0x1400  }
0x2e: {  	s5 =	simm.s32 @!p0 $0x7  }
0x2f: {  	_ =	swait.ge @!p0 [sflag:s5], $0x1400  }
0x30: {  	s20 =	rddreg [dreg:$0x6]  }
0x31: {  	s21 =	rddreg [dreg:$0xf];
	s16 =	sadd.s32 $0x1, s20  }
0x32: {  	p3 =	sne.s32 s16, s21  }
.Ltmp1:
0x33: {  	_ = 	snop;
	(pc) =	sbr.rel @!p3 .LBB2_7-.Ltmp1, $3  }
0x34: {  	_ =	sdelay $0x1  }
0x35: {  	[sflag:s5] =	ssyncset.done @!p0 $0x0  }
0x36: {  	[sflag:s5] =	ssyncadd.s32 @!p0 $0xFFFFEC00  }
.LBB2_1:
0x37: {  	[dreg:$0x6] =	wrdreg s16  }
0x38: {  	s5 =	rddreg [dreg:$0x9]  }
0x39: {  	s15 =	simm.s32 @p0 $0x1FC7;
	s10 =	rddreg [dreg:$0x10];
	s16 =	simm.s32 @p0 $0x7  }
0x3a: {  	[spmem:s10], [sflag:s15] =	dma.local @p0 [hbm:s5], $0x2080  }
0x3b: {  	_ =	swait.ge @p0 [sflag:s16], $0x2080  }
0x3c: {  	[sflag:s16] =	ssyncset.done @p0 $0x0;
	s5 =	rddreg [dreg:$0xb]  }
0x3d: {  	s10 =	rddreg [dreg:$0x11];
	[sflag:s16] =	ssyncadd.s32 @p0 $0xFFFFDF80  }
0x3e: {  	[spmem:s10], [sflag:s15] =	dma.local @p0 [hbm:s5], $0x1080  }
0x3f: {  	_ =	swait.ge @p0 [sflag:s16], $0x1080  }
0x40: {  	[sflag:s16] =	ssyncset.done @p0 $0x0;
	s5 =	rddreg [dreg:$0x7]  }
0x41: {  	s15 =	simm.s32 @!p0 $0x7;
	s10 =	rddreg [dreg:$0x13];
	[sflag:s16] =	ssyncadd.s32 @p0 $0xFFFFEF80  }
0x42: {  	[spmem:s10], [sflag:s17] =	dma.local @!p0 [hbm:s5], $0x2780  }
0x43: {  	_ =	swait.ge @!p0 [sflag:s15], $0x2780  }
0x44: {  	[sflag:s15] =	ssyncset.done @!p0 $0x0  }
0x45: {  	s5 =	rddreg [dreg:$0x8];
	[sflag:s15] =	ssyncadd.s32 @!p0 $0xFFFFD880  }
0x46: {  	[spmem:s18], [sflag:s17] =	dma.local @!p0 [hbm:s5], $0x1400  }
.Ltmp2:
0x47: {  	_ =	swait.ge @!p0 [sflag:s15], $0x1400;
	(pc) =	sbr.rel .LBB2_2-.Ltmp2, $4  }
0x48: {  	[sflag:s15] =	ssyncset.done @!p0 $0x0  }
0x49: {  	[sflag:s15] =	ssyncadd.s32 @!p0 $0xFFFFEC00  }
0x4a: {  	[bflag:$0x0] =	sbarrier.arrive $0xFFFF  }
0x4b: {  	s15 =	simm.s32 $0x0  }
.LBB2_5:
0x4c: {  	s15 =	sadd.s32 $0x1, s15  }
0x4d: {  	_ =	swait.ge [sflag:s13], $0x800;
	p3 =	sne.s32 s15, $0x14  }
.Ltmp3:
0x4e: {  	[sflag:s13] =	ssyncset.done $0x0;
	(pc) =	sbr.rel @!p3 .LBB2_6-.Ltmp3, $4  }
0x4f: {  	[sflag:s13] =	ssyncadd.s32 $0xFFFFF800  }
0x50: {  	_ =	swait.ge [sflag:s14], $0x800  }
0x51: {  	[sflag:s14] =	ssyncset.done $0x0  }
0x52: {  	[sflag:s14] =	ssyncadd.s32 $0xFFFFF800  }
.LBB2_2:
0x53: {  	s16 =	sadd.s32 s12, s15  }
0x54: {  	s17 =	sshll.u32 s16, $0x7  }
0x55: {  	s16 =	simm.s32 $0x0;
	s18 =	sadd.s32 s6, s17  }
0x56: {  	[tilespmem:s16], [sflag:$0x7] =	stream.linear.gather [hbm4b:s18+s16], $0x400, $0x38;
	[tilespmem:$0x1FF40] =	vst v63  }
0x57: {  	_ =	swait.ge [sflag:s22], $0x400  }
0x58: {  	[sflag:s22] =	ssyncset.done $0x0  }
0x59: {  	s17 =	sadd.s32 s1, s17;
	[sflag:s22] =	ssyncadd.s32 $0xFFFFFC00  }
0x5a: {  	[tilespmem:s23], [sflag:$0x7] =	stream.linear.gather [hbm4b:s17+s16], $0x400, $0x38;
	[tilespmem:$0x1FF40] =	vst v63  }
0x5b: {  	_ =	swait.ge [sflag:s22], $0x400  }
0x5c: {  	[sflag:s22] =	ssyncset.done $0x0  }
0x5d: {  	[sflag:s22] =	ssyncadd.s32 $0xFFFFFC00  }
0x5e: {  	[tilespmem:s25], [sflag:$0x1] =	stream.indirect.gather [spmem:s2], $0x80, s16, s24, $0xb8;
	[tilespmem:$0x1FF40] =	vst v63  }
0x5f: {  	s17 =	simm.s32 $0x140  }
0x60: {  	[tilespmem:s26], [sflag:$0x2] =	stream.indirect.gather [spmem:s2], $0x80, s24, s24, $0xb8;
	[tilespmem:$0x1FF40] =	vst v63  }
.LBB2_3:
0x61: {  	s18 =	sadd.s32 $0xFFFFFEC0, s17  }
0x62: {  	s18 =	sand.u32 $0xE00, s18  }
0x63: {  	_ =	swait.ge [sflag:s28], $0x800;
	s18 =	sshrl.u32 s18, $0x2  }
0x64: {  	s20 =	sand.u32 $0x40, s16;
	[sflag:s28] =	ssyncset.done $0x0;
	s10 =	sor.u32 $0x400, s18  }
0x65: {  	[sflag:s28] =	ssyncadd.s32 $0xFFFFF800;
	s21 =	sor.u32 s20, s10  }
0x66: {  	v1 =	vld [tilespmem:s21+$0x0];
	_ =	sdelay $0x4  }
0x67: {  	v1 =	vsub.s32 v1, v0  }
0x68: {  	vm0 =	vlt.u32 v1, $0x13C0  }
0x69: {  	p3 =	seq.s32 s17, $0x140;
	v1 =	vnsel vm0, $0x13C7, v1  }
0x6a: {  	s19 =	simm.s32 @!p3 $0x5;
	[tilespmem:$0x2800] =	vst v1  }
0x6b: {  	[spmem:s4] =	stream.indirect.scatter.add.f32 [tilespmem:s25], [sflag:$0x3], $0x80, s29, s24, $0xb8;
	[tilespmem:$0x1FF40] =	vst v63  }
0x6c: {  	_ =	swait.ge @!p3 [sflag:s19], $0x800  }
0x6d: {  	s5 =	sor.u32 $0x20, s20;
	[sflag:s19] =	ssyncset.done @!p3 $0x0  }
0x6e: {  	[sflag:s19] =	ssyncadd.s32 @!p3 $0xFFFFF800;
	s19 =	sadd.s32 s5, s18  }
0x6f: {  	[tilespmem:s30], [sflag:$0x1] =	stream.indirect.gather [spmem:s2], $0x80, s19, s24, $0xb8;
	[tilespmem:$0x1FF40] =	vst v63  }
0x70: {  	_ =	swait.ge [sflag:s31], $0x800  }
0x71: {  	[sflag:s31] =	ssyncset.done $0x0  }
0x72: {  	[sflag:s31] =	ssyncadd.s32 $0xFFFFF800  }
0x73: {  	v1 =	vld [tilespmem:s21+$0x10];
	_ =	sdelay $0x4  }
0x74: {  	v1 =	vsub.s32 v1, v0  }
0x75: {  	vm13 =	vlt.u32 v1, $0x13C0  }
0x76: {  	v1 =	vnsel vm13, $0x13C7, v1  }
0x77: {  	s19 =	simm.s32 @!p3 $0x6;
	[tilespmem:$0x2810] =	vst v1  }
0x78: {  	[spmem:s4] =	stream.indirect.scatter.add.f32 [tilespmem:s26], [sflag:$0x4], $0x80, s0, s24, $0xb8;
	[tilespmem:$0x1FF40] =	vst v63  }
0x79: {  	_ =	swait.ge @!p3 [sflag:s19], $0x800  }
0x7a: {  	s20 =	sor.u32 $0x30, s20;
	[sflag:s19] =	ssyncset.done @!p3 $0x0  }
0x7b: {  	s18 =	sadd.s32 s20, s18;
	[sflag:s19] =	ssyncadd.s32 @!p3 $0xFFFFF800  }
0x7c: {  	[tilespmem:s3], [sflag:$0x2] =	stream.indirect.gather [spmem:s2], $0x80, s18, s24, $0xb8;
	[tilespmem:$0x1FF40] =	vst v63  }
0x7d: {  	_ =	swait.ge [sflag:s28], $0x800  }
0x7e: {  	[sflag:s28] =	ssyncset.done $0x0  }
0x7f: {  	s5 =	sadd.s32 s5, s10;
	[sflag:s28] =	ssyncadd.s32 $0xFFFFF800  }
0x80: {  	v1 =	vld [tilespmem:s5+$0x0];
	_ =	sdelay $0x4  }
0x81: {  	v1 =	vsub.s32 v1, v0  }
0x82: {  	vm14 =	vlt.u32 v1, $0x13C0  }
0x83: {  	p3 =	seq.s32 s17, $0x1040;
	v1 =	vnsel vm14, $0x13C7, v1  }
0x84: {  	s18 =	sxor.u32 @!p3 $0xFFFFFFFF, s16;
	s5 =	sadd.s32 @!p3 $0xFFFFFFC0, s17;
	[tilespmem:$0x2820] =	vst v1  }
0x85: {  	[spmem:s4] =	stream.indirect.scatter.add.f32 [tilespmem:s30], [sflag:$0x5], $0x80, s7, s24, $0xb8;
	[tilespmem:$0x1FF40] =	vst v63  }
0x86: {  	s19 =	simm.s32 @!p3 $0x800;
	s5 =	sand.u32 @!p3 $0x1E00, s5;
	_ =	swait.ge [sflag:s8], $0x800  }
0x87: {  	s18 =	sand.u32 @!p3 $0x40, s18;
	s5 =	sshrl.u32 @!p3 s5, $0x2;
	[sflag:s8] =	ssyncset.done $0x0  }
0x88: {  	s5 =	sor.u32 @!p3 s18, s5;
	s18 =	simm.s32 @!p3 $0x10;
	[sflag:s8] =	ssyncadd.s32 $0xFFFFF800  }
0x89: {  	[tilespmem:s19], [sflag:$0x1] =	stream.indirect.gather @!p3 [spmem:s2], $0x80, s5, s18, $0xb8;
	[tilespmem:$0x1FF40] =	vst v63  }
0x8a: {  	_ =	swait.ge [sflag:s31], $0x800  }
0x8b: {  	[sflag:s31] =	ssyncset.done $0x0  }
0x8c: {  	s21 =	sadd.s32 s20, s10;
	[sflag:s31] =	ssyncadd.s32 $0xFFFFF800  }
0x8d: {  	v1 =	vld [tilespmem:s21+$0x0];
	_ =	sdelay $0x4  }
0x8e: {  	v1 =	vsub.s32 v1, v0  }
0x8f: {  	vm15 =	vlt.u32 v1, $0x13C0  }
0x90: {  	v1 =	vnsel vm15, $0x13C7, v1  }
.Ltmp4:
0x91: {  	[tilespmem:$0x2830] =	vst v1;
	(pc) =	sbr.rel @p3 .LBB2_5-.Ltmp4, $4  }
0x92: {  	[spmem:s4] =	stream.indirect.scatter.add.f32 [tilespmem:s3], [sflag:$0x6], $0x80, s9, s24, $0xb8;
	[tilespmem:$0x1FF40] =	vst v63  }
0x93: {  	_ =	swait.ge [sflag:s11], $0x800  }
0x94: {  	[sflag:s11] =	ssyncset.done $0x0  }
0x95: {  	[sflag:s11] =	ssyncadd.s32 $0xFFFFF800  }
.Ltmp5:
0x96: {  	(pc) =	sbr.rel .LBB2_3-.Ltmp5, $4  }
0x97: {  	s5 =	sadd.s32 $0x50, s16;
	s10 =	sand.u32 $0x1E00, s17  }
0x98: {  	s5 =	sand.u32 $0x50, s5;
	s10 =	sshrl.u32 s10, $0x2  }
0x99: {  	s17 =	sadd.s32 $0x100, s17;
	s16 =	sadd.s32 $0x40, s16;
	s5 =	sor.u32 s5, s10  }
0x9a: {  	[tilespmem:s26], [sflag:$0x2] =	stream.indirect.gather [spmem:s2], $0x80, s5, s24, $0xb8;
	[tilespmem:$0x1FF40] =	vst v63  }
.LBB2_7:
0x9b: {  	_ =	sfence.sel $0x180000  }
0x9c: {  	[bflag:$0x0] =	sbarrier.arrive $0xFFFF  }
0x9d: {  	_ =	strace $0x90000047  }
0x9e: {  	s0 =	stileid.u32;
	[bflag:$0x2] =	sbarrier.arrive $0xFFFF  }
0x9f: {  	p0 =	sne.s32 s0, $0x0;
	s0 =	rddreg [dreg:$0x5]  }
0xa0: {  	s0 =	sadd.s32 @!p0 $0x100000, s0  }
0xa1: {  	[sflag:s0] =	ssyncadd.tile.s32 @!p0 $0x1;
	_ =	shalt  }
.Lfunc_end2:
_tile_overlayer_lowered:
.L_overlay_start_2:
0xa2: {  	(tag) =	ssettag $0x2  }
0xa3: {  	s0 =	rddreg [dreg:$0x0];
	s2 =	stileid.u32  }
0xa4: {  	s1 =	rddreg [dreg:$0x1];
	p0 =	sne.s32 s2, $0x0  }
0xa5: {  	s3 =	rddreg [dreg:$0x2];
	[bflag:$0x3] =	sbarrier.arrive $0xFFFF;
	s2 =	simm.s32 @!p0 $0x1C07  }
0xa6: {  	[timem:s3], [sflag:s2] =	dma.local @!p0 [hbm:s0], s1  }
0xa7: {  	s0 =	simm.s32 @!p0 $0x7  }
0xa8: {  	_ =	swait.ge @!p0 [sflag:s0], s1  }
0xa9: {  	s1 =	ssub.s32 @!p0 $0x0, s1;
	[sflag:s0] =	ssyncset.done @!p0 $0x0  }
0xaa: {  	[sflag:s0] =	ssyncadd.s32 @!p0 s1  }
0xab: {  	[bflag:$0x3] =	sbarrier.arrive $0xFFFF  }
0xac: {  	_ =	shalt  }

</sc_bundles>
